<compile_context>
chip_gen: v7x
topology: tpu7x:2x2x1
jax: 0.10.2.dev20260603
libtpu: 0.0.44.dev20260713+nightly
codegen_flags: <defaults>
</compile_context>

<pallas_src>
import functools

import jax
import jax.numpy as jnp
from jax import lax
from jax.experimental import pallas as pl
from jax.experimental.pallas import tpu as pltpu
from jax.experimental.pallas import tpu_sc as plsc

N = 100000
D = 128
TOPK = 16
L = 16
NC = 2
NS = 16
PW = 6272
PWL = N - (NS - 1) * PW
CPW = PW // L
BIG = float(jnp.finfo(jnp.float32).max)
IMAX = 2**31 - 1

_mesh = plsc.VectorSubcoreMesh(core_axis_name="c", subcore_axis_name="s",
                               num_cores=1)


def _merge16(av, ai, xv, xi, descending):
  rv = lax.rev(xv, (0,))
  ri = lax.rev(xi, (0,))
  if descending:
    take = (av > rv) | ((av == rv) & (ai < ri))
  else:
    take = (av < rv) | ((av == rv) & (ai < ri))
  mv = jnp.where(take, av, rv)
  mi = jnp.where(take, ai, ri)
  sv, si = plsc.sort_key_val(mv, mi, descending=descending)
  return sv, si


@functools.partial(
    pl.kernel,
    out_type=(
        jax.ShapeDtypeStruct((2 * TOPK,), jnp.float32),
        jax.ShapeDtypeStruct((2 * TOPK, D), jnp.float32),
    ),
    mesh=_mesh,
    compiler_params=pltpu.CompilerParams(needs_layout_passes=False),
    scratch_types=[
        pltpu.VMEM((PW,), jnp.float32),
        pltpu.VMEM((PW + L,), jnp.float32),
        pltpu.VMEM((PW + L,), jnp.int32),
        pltpu.VMEM((4 * L,), jnp.float32),
        pltpu.VMEM((NS * 4 * L,), jnp.float32),
        pltpu.VMEM_SHARED((NS * 4 * L,), jnp.float32),
        pltpu.VMEM((2 * TOPK,), jnp.int32),
        pltpu.VMEM((2 * TOPK,), jnp.float32),
        pltpu.VMEM((2 * TOPK, D), jnp.float32),
        pltpu.SemaphoreType.DMA,
    ],
)
def _minmax_select(att_hbm, feat_hbm, att_out_hbm, feat_out_hbm,
                   att_v, cv_t, ci_t, pack_v, all_v, stage_sh,
                   idx_v, aout_v, rows_v, sem):
  cid = lax.axis_index("c")
  sid = lax.axis_index("s")

  @pl.when(cid == 0)
  def _():
    base = sid * PW
    ncnk = jnp.where(sid == NS - 1, PWL // L, CPW)
    pltpu.sync_copy(att_hbm.at[pl.ds(base, PWL)], att_v.at[pl.ds(0, PWL)])

    @pl.when(sid != NS - 1)
    def _copy_tail():
      pltpu.sync_copy(att_hbm.at[pl.ds(base + PWL, PW - PWL)],
                      att_v.at[pl.ds(PWL, PW - PWL)])

    iota = lax.iota(jnp.int32, L)
    fifteen = jnp.full((L,), 15, jnp.int32)

    @plsc.parallel_loop(
        0, ncnk // 2, unroll=16,
        carry=(jnp.full((L,), -BIG, jnp.float32),
               jnp.full((L,), BIG, jnp.float32)))
    def pass_a(c, carry):
      vmax, vmin = carry
      b0 = c * (2 * L)
      for u in range(2):
        v = att_v[pl.ds(b0 + u * L, L)]
        vmax = jnp.maximum(vmax, v)
        vmin = jnp.minimum(vmin, v)
      return vmax, vmin

    vmax, vmin = pass_a
    thr_t = jnp.min(vmax)
    thr_b = jnp.max(vmin)

    zero = jnp.zeros((L,), jnp.int32)

    @plsc.parallel_loop(0, ncnk // 2, unroll=8, carry=zero)
    def pass_b(c, off):
      b0 = c * (2 * L)
      for u in range(2):
        v = att_v[pl.ds(b0 + u * L, L)]
        idx = iota + (base + b0 + u * L)
        m = (v >= thr_t) | (v <= thr_b)
        pos = plsc.cumsum(m.astype(jnp.int32))
        iw = off + pos - 1
        plsc.store_scatter(cv_t, [iw], v, mask=m)
        plsc.store_scatter(ci_t, [iw], idx, mask=m)
        off = off + plsc.all_reduce_population_count(m)
      return off

    off = pass_b
    cnt = jnp.max(off)

    sv1, _ = plsc.sort_key_val(vmax, iota, descending=True)
    sv2, _ = plsc.sort_key_val(vmin, iota, descending=True)
    sent = jnp.min(jnp.maximum(sv1, lax.rev(sv2, (0,))))
    imax_vec = iota | IMAX
    plsc.store_scatter(cv_t, [off + iota],
                       jnp.broadcast_to(sent, (L,)))
    plsc.store_scatter(ci_t, [off + iota], imax_vec)

    def pass_c(r, carry):
      tv, ti, bv, bi = carry
      sv, si = plsc.sort_key_val(cv_t[pl.ds(r * L, L)], ci_t[pl.ds(r * L, L)],
                                 descending=True)
      tv, ti = _merge16(tv, ti, sv, si, descending=True)
      bv, bi = _merge16(bv, bi, lax.rev(sv, (0,)), lax.rev(si, (0,)),
                        descending=False)
      return tv, ti, bv, bi

    i0 = jnp.full((L,), IMAX, jnp.int32)
    tv, ti, bv, bi = lax.fori_loop(
        0, (cnt + L - 1) // L, pass_c,
        (jnp.full((L,), -BIG, jnp.float32), i0,
         jnp.full((L,), BIG, jnp.float32), i0))

    pack_v[pl.ds(0, L)] = tv
    pack_v[pl.ds(L, L)] = plsc.bitcast(ti, jnp.float32)
    pack_v[pl.ds(2 * L, L)] = bv
    pack_v[pl.ds(3 * L, L)] = plsc.bitcast(bi, jnp.float32)
    pltpu.sync_copy(pack_v, stage_sh.at[pl.ds(sid * 4 * L, 4 * L)])
    plsc.subcore_barrier()

    @pl.when(sid == 0)
    def _():
      pltpu.sync_copy(stage_sh, all_v)

      def merge_w(w, carry):
        tv, ti, bv, bi = carry
        b0 = w * 4 * L
        xv_t = all_v[pl.ds(b0, L)]
        xi_t = plsc.bitcast(all_v[pl.ds(b0 + L, L)], jnp.int32)
        xv_b = all_v[pl.ds(b0 + 2 * L, L)]
        xi_b = plsc.bitcast(all_v[pl.ds(b0 + 3 * L, L)], jnp.int32)
        tv, ti = _merge16(tv, ti, xv_t, xi_t, descending=True)
        bv, bi = _merge16(bv, bi, xv_b, xi_b, descending=False)
        return tv, ti, bv, bi

      gtv, gti, gbv, gbi = lax.fori_loop(
          1, NS, merge_w,
          (all_v[pl.ds(0, L)], plsc.bitcast(all_v[pl.ds(L, L)], jnp.int32),
           all_v[pl.ds(2 * L, L)],
           plsc.bitcast(all_v[pl.ds(3 * L, L)], jnp.int32)))

      aout_v[pl.ds(0, L)] = gtv
      aout_v[pl.ds(L, L)] = lax.rev(gbv, (0,))
      idx_v[pl.ds(0, L)] = gti
      idx_v[pl.ds(L, L)] = lax.rev(gbi, (0,))

      pltpu.async_copy(feat_hbm.at[idx_v], rows_v, sem).wait()
      pltpu.sync_copy(aout_v, att_out_hbm)
      pltpu.sync_copy(rows_v, feat_out_hbm)


def kernel(x_features, x_attention):
  att = jnp.squeeze(x_attention, -1)
  sel_att, sel_feat = _minmax_select(att, x_features)
  return sel_att.reshape(2 * TOPK, 1), sel_feat

# --- scband reference (transcript-rebuilt; emitter-appended) ---
"""Pipeline reference for scband-min-max-layer-64338610094485 (READ-ONLY COPY).

The authoritative reference and input builder live on the scoring server;
editing this copy changes nothing except your own understanding.
"""

import jax, jax.numpy as jnp
import numpy as np

K = 16
MAX_ONLY = False

def setup_inputs(seed: int = 0) -> dict:
    key = jax.random.key(seed)
    k1, k2 = jax.random.split(key)
    x_features = jax.random.normal(k1, (100000, 128), dtype=jnp.float32)
    x_attention = jax.random.normal(k2, (100000, 1), dtype=jnp.float32)
    return {"x_features": x_features, "x_attention": x_attention}

def reference(x_features, x_attention):
    # x_att_1d = x_attention.squeeze()
    x_att_1d = jnp.squeeze(x_attention)
    # argsort descending
    indices_sorted = jnp.argsort(-x_att_1d)
    sorted_att_scores = x_attention[indices_sorted, :]
    sorted_features = x_features[indices_sorted, :]
    if MAX_ONLY:
        selected_att = sorted_att_scores[:K, :]
        selected_features = sorted_features[:K, :]
        return (selected_att, selected_features)
    selected_att = jnp.concatenate((sorted_att_scores[:K, :], sorted_att_scores[-K:, :]), axis=0)
    selected_features = jnp.concatenate((sorted_features[:K, :], sorted_features[-K:, :]), axis=0)
    return (selected_att, selected_features)

if __name__ == "__main__":
    import jax
    _d = setup_inputs()
    print(jax.jit(kernel)(*tuple(_d.values())))

</pallas_src>

<mosaic_0001>
#map = affine_map<(d0, d1) -> (0)>
#map1 = affine_map<(d0, d1) -> (0, 0)>
module attributes {stable_mosaic.version = 14 : i64} {
  func.func @_minmax_select(%arg0: i32, %arg1: i32, %arg2: memref<100000xf32, #tpu.memory_space<hbm>>, %arg3: memref<100000x128xf32, #tpu.memory_space<hbm>>, %arg4: memref<32xf32, #tpu.memory_space<hbm>>, %arg5: memref<32x128xf32, #tpu.memory_space<hbm>>, %arg6: memref<6272xf32, #tpu.memory_space<vmem>>, %arg7: memref<6288xf32, #tpu.memory_space<vmem>>, %arg8: memref<6288xi32, #tpu.memory_space<vmem>>, %arg9: memref<64xf32, #tpu.memory_space<vmem>>, %arg10: memref<1024xf32, #tpu.memory_space<vmem>>, %arg11: memref<1024xf32, #tpu.memory_space<vmem_shared>>, %arg12: memref<32xi32, #tpu.memory_space<vmem>>, %arg13: memref<32xf32, #tpu.memory_space<vmem>>, %arg14: memref<32x128xf32, #tpu.memory_space<vmem>>, %arg15: memref<!tpu.dma_semaphore, #tpu.memory_space<semaphore_mem>>) attributes {dimension_semantics = [#tpu.dimension_semantics<core_parallel>, #tpu.dimension_semantics<subcore_parallel>], iteration_bounds = array<i64: 1, 16>, scalar_prefetch = 0 : i64, scratch_operands = 10 : i64, tpu.core_type = #tpu.core_type<sc_vector_subcore>, window_params = [{transform_indices = #map}, {transform_indices = #map1}, {transform_indices = #map}, {transform_indices = #map1}]} {
    %eq3A = arith.constant 0 : i32
    %eq3A_0 = arith.cmpi eq, %arg0, %eq3A : i32
    %convert_element_type3A = arith.extui %eq3A_0 : i1 to i32
    %cond3A = arith.constant 0 : i32
    %cond3A_1 = arith.cmpi ne, %convert_element_type3A, %cond3A : i32
    scf.if %cond3A_1 {
      %mul3A = arith.constant 6272 : i32
      %mul3A_2 = arith.muli %arg1, %mul3A : i32
      %eq3A_3 = arith.constant 15 : i32
      %eq3A_4 = arith.cmpi eq, %arg1, %eq3A_3 : i32
      %jit3A = arith.constant 370 : i32
      %jit3A_5 = arith.constant 392 : i32
      %select_n3A = arith.select %eq3A_4, %jit3A, %jit3A_5 : i32
      "tpu.region"() ({
        %run_scoped3A = tpu.sem_alloc : memref<!tpu.dma_semaphore, #tpu.memory_space<semaphore_mem>>
        %dma_start3A = arith.constant 0 : i32
        %dma_start3A_159 = tpu.memref_slice %arg6[%dma_start3A] : memref<6272xf32, #tpu.memory_space<vmem>> -> memref<5920xf32, #tpu.memory_space<vmem>>
        %dma_start3A_160 = tpu.memref_slice %arg2[%mul3A_2] : memref<100000xf32, #tpu.memory_space<hbm>> -> memref<5920xf32, #tpu.memory_space<hbm>>
        %dma_start3A_161 = arith.constant 0 : i32
        %dma_start3A_162 = tpu.memref_slice %arg6[%dma_start3A_161] : memref<6272xf32, #tpu.memory_space<vmem>> -> memref<5920xf32, #tpu.memory_space<vmem>>
        %dma_start3A_163 = tpu.memref_slice %arg2[%mul3A_2] : memref<100000xf32, #tpu.memory_space<hbm>> -> memref<5920xf32, #tpu.memory_space<hbm>>
        tpu.enqueue_dma source(%dma_start3A_163 : memref<5920xf32, #tpu.memory_space<hbm>>) target(%dma_start3A_162 : memref<5920xf32, #tpu.memory_space<vmem>>) target_semaphore(%run_scoped3A : memref<!tpu.dma_semaphore, #tpu.memory_space<semaphore_mem>>)
        %dma_wait3A = arith.constant 0 : i32
        %dma_wait3A_164 = tpu.memref_slice %arg6[%dma_wait3A] : memref<6272xf32, #tpu.memory_space<vmem>> -> memref<5920xf32, #tpu.memory_space<vmem>>
        %dma_wait3A_165 = tpu.memref_slice %arg2[%mul3A_2] : memref<100000xf32, #tpu.memory_space<hbm>> -> memref<5920xf32, #tpu.memory_space<hbm>>
        %dma_wait3A_166 = arith.constant 0 : i32
        %dma_wait3A_167 = tpu.memref_slice %arg6[%dma_wait3A_166] : memref<6272xf32, #tpu.memory_space<vmem>> -> memref<5920xf32, #tpu.memory_space<vmem>>
        %dma_wait3A_168 = tpu.memref_slice %arg2[%mul3A_2] : memref<100000xf32, #tpu.memory_space<hbm>> -> memref<5920xf32, #tpu.memory_space<hbm>>
        tpu.wait_dma2 semaphore(%run_scoped3A : memref<!tpu.dma_semaphore, #tpu.memory_space<semaphore_mem>>) src(%dma_wait3A_168 : memref<5920xf32, #tpu.memory_space<hbm>>) dst(%dma_wait3A_167 : memref<5920xf32, #tpu.memory_space<vmem>>)
        tpu.yield
      }) : () -> ()
      %ne3A = arith.constant 15 : i32
      %ne3A_6 = arith.cmpi ne, %arg1, %ne3A : i32
      %convert_element_type3A_7 = arith.extui %ne3A_6 : i1 to i32
      %cond3A_8 = arith.constant 0 : i32
      %cond3A_9 = arith.cmpi ne, %convert_element_type3A_7, %cond3A_8 : i32
      scf.if %cond3A_9 {
        %add3A_159 = arith.constant 5920 : i32
        %add3A_160 = arith.addi %mul3A_2, %add3A_159 : i32
        "tpu.region"() ({
          %run_scoped3A = tpu.sem_alloc : memref<!tpu.dma_semaphore, #tpu.memory_space<semaphore_mem>>
          %dma_start3A = arith.constant 5920 : i32
          %dma_start3A_161 = tpu.memref_slice %arg6[%dma_start3A] : memref<6272xf32, #tpu.memory_space<vmem>> -> memref<352xf32, #tpu.memory_space<vmem>>
          %dma_start3A_162 = tpu.memref_slice %arg2[%add3A_160] : memref<100000xf32, #tpu.memory_space<hbm>> -> memref<352xf32, #tpu.memory_space<hbm>>
          %dma_start3A_163 = arith.constant 5920 : i32
          %dma_start3A_164 = tpu.memref_slice %arg6[%dma_start3A_163] : memref<6272xf32, #tpu.memory_space<vmem>> -> memref<352xf32, #tpu.memory_space<vmem>>
          %dma_start3A_165 = tpu.memref_slice %arg2[%add3A_160] : memref<100000xf32, #tpu.memory_space<hbm>> -> memref<352xf32, #tpu.memory_space<hbm>>
          tpu.enqueue_dma source(%dma_start3A_165 : memref<352xf32, #tpu.memory_space<hbm>>) target(%dma_start3A_164 : memref<352xf32, #tpu.memory_space<vmem>>) target_semaphore(%run_scoped3A : memref<!tpu.dma_semaphore, #tpu.memory_space<semaphore_mem>>)
          %dma_wait3A = arith.constant 5920 : i32
          %dma_wait3A_166 = tpu.memref_slice %arg6[%dma_wait3A] : memref<6272xf32, #tpu.memory_space<vmem>> -> memref<352xf32, #tpu.memory_space<vmem>>
          %dma_wait3A_167 = tpu.memref_slice %arg2[%add3A_160] : memref<100000xf32, #tpu.memory_space<hbm>> -> memref<352xf32, #tpu.memory_space<hbm>>
          %dma_wait3A_168 = arith.constant 5920 : i32
          %dma_wait3A_169 = tpu.memref_slice %arg6[%dma_wait3A_168] : memref<6272xf32, #tpu.memory_space<vmem>> -> memref<352xf32, #tpu.memory_space<vmem>>
          %dma_wait3A_170 = tpu.memref_slice %arg2[%add3A_160] : memref<100000xf32, #tpu.memory_space<hbm>> -> memref<352xf32, #tpu.memory_space<hbm>>
          tpu.wait_dma2 semaphore(%run_scoped3A : memref<!tpu.dma_semaphore, #tpu.memory_space<semaphore_mem>>) src(%dma_wait3A_170 : memref<352xf32, #tpu.memory_space<hbm>>) dst(%dma_wait3A_169 : memref<352xf32, #tpu.memory_space<vmem>>)
          tpu.yield
        }) : () -> ()
      } else {
      }
      %iota3A = tpu.iota {dimensions = array<i32: 0>} : vector<16xi32>
      %broadcast_in_dim3A = arith.constant 15 : i32
      %broadcast_in_dim3A_10 = vector.broadcast %broadcast_in_dim3A : i32 to vector<16xi32>
      %jit3A_11 = arith.constant 2 : i32
      %div3A = arith.divsi %select_n3A, %jit3A_11 : i32
      %sign3A = arith.constant 0 : i32
      %sign3A_12 = arith.cmpi sgt, %select_n3A, %sign3A : i32
      %sign3A_13 = arith.extui %sign3A_12 : i1 to i32
      %sign3A_14 = arith.constant 0 : i32
      %sign3A_15 = arith.cmpi slt, %select_n3A, %sign3A_14 : i32
      %sign3A_16 = arith.extui %sign3A_15 : i1 to i32
      %sign3A_17 = arith.subi %sign3A_13, %sign3A_16 : i32
      %sign3A_18 = arith.constant 0 : i32
      %sign3A_19 = arith.cmpi sgt, %jit3A_11, %sign3A_18 : i32
      %sign3A_20 = arith.extui %sign3A_19 : i1 to i32
      %sign3A_21 = arith.constant 0 : i32
      %sign3A_22 = arith.cmpi slt, %jit3A_11, %sign3A_21 : i32
      %sign3A_23 = arith.extui %sign3A_22 : i1 to i32
      %sign3A_24 = arith.subi %sign3A_20, %sign3A_23 : i32
      %ne3A_25 = arith.cmpi ne, %sign3A_17, %sign3A_24 : i32
      %rem3A = arith.remsi %select_n3A, %jit3A_11 : i32
      %ne3A_26 = arith.constant 0 : i32
      %ne3A_27 = arith.cmpi ne, %rem3A, %ne3A_26 : i32
      %and3A = arith.andi %ne3A_25, %ne3A_27 : i1
      %sub3A = arith.constant 1 : i32
      %sub3A_28 = arith.subi %div3A, %sub3A : i32
      %select_n3A_29 = arith.select %and3A, %sub3A_28, %div3A : i32
      %broadcast_in_dim3A_30 = arith.constant -3.40282347E+38 : f32
      %broadcast_in_dim3A_31 = vector.broadcast %broadcast_in_dim3A_30 : f32 to vector<16xf32>
      %broadcast_in_dim3A_32 = arith.constant 3.40282347E+38 : f32
      %broadcast_in_dim3A_33 = vector.broadcast %broadcast_in_dim3A_32 : f32 to vector<16xf32>
      %parallel_loop3A = arith.constant 0 : i32
      %parallel_loop3A_34 = arith.constant 1 : i32
      %parallel_loop3A_35:2 = scf.for %parallel_loop3A_159 = %parallel_loop3A to %select_n3A_29 step %parallel_loop3A_34 iter_args(%parallel_loop3A_160 = %broadcast_in_dim3A_31, %parallel_loop3A_161 = %broadcast_in_dim3A_33) -> (vector<16xf32>, vector<16xf32>)  : i32 {
        %parallel_loop3A_162 = arith.constant 32 : i32
        %parallel_loop3A_163 = arith.muli %parallel_loop3A_159, %parallel_loop3A_162 : i32
        %parallel_loop3A_164 = arith.constant 0 : i32
        %parallel_loop3A_165 = arith.addi %parallel_loop3A_163, %parallel_loop3A_164 : i32
        %parallel_loop3A_166 = arith.index_cast %parallel_loop3A_165 : i32 to index
        %parallel_loop3A_167 = tpu.vector_load %arg6[%parallel_loop3A_166] {strides = array<i32>} : memref<6272xf32, #tpu.memory_space<vmem>>, vector<16xf32>,
        %parallel_loop3A_168 = arith.maximumf %parallel_loop3A_160, %parallel_loop3A_167 : vector<16xf32>
        %parallel_loop3A_169 = arith.minimumf %parallel_loop3A_161, %parallel_loop3A_167 : vector<16xf32>
        %parallel_loop3A_170 = arith.constant 16 : i32
        %parallel_loop3A_171 = arith.addi %parallel_loop3A_163, %parallel_loop3A_170 : i32
        %parallel_loop3A_172 = arith.index_cast %parallel_loop3A_171 : i32 to index
        %parallel_loop3A_173 = tpu.vector_load %arg6[%parallel_loop3A_172] {strides = array<i32>} : memref<6272xf32, #tpu.memory_space<vmem>>, vector<16xf32>,
        %parallel_loop3A_174 = arith.maximumf %parallel_loop3A_168, %parallel_loop3A_173 : vector<16xf32>
        %parallel_loop3A_175 = arith.minimumf %parallel_loop3A_169, %parallel_loop3A_173 : vector<16xf32>
        scf.yield %parallel_loop3A_174, %parallel_loop3A_175 : vector<16xf32>, vector<16xf32>
      } {sc.loop_unroll_factor = 16 : i64, sc.parallel_access}
      %reduce_min3A = arith.constant true
      %reduce_min3A_36 = vector.broadcast %reduce_min3A : i1 to vector<16xi1>
      %reduce_min3A_37 = tpu.scan <min>, %parallel_loop3A_35#0 masked %reduce_min3A_36 : vector<16xf32>, vector<16xi1> -> vector<16xf32>
      %reduce_min3A_38 = vector.extract %reduce_min3A_37[15] : f32 from vector<16xf32>
      %reduce_max3A = arith.constant true
      %reduce_max3A_39 = vector.broadcast %reduce_max3A : i1 to vector<16xi1>
      %reduce_max3A_40 = tpu.scan <max>, %parallel_loop3A_35#1 masked %reduce_max3A_39 : vector<16xf32>, vector<16xi1> -> vector<16xf32>
      %reduce_max3A_41 = vector.extract %reduce_max3A_40[15] : f32 from vector<16xf32>
      %broadcast_in_dim3A_42 = arith.constant 0 : i32
      %broadcast_in_dim3A_43 = vector.broadcast %broadcast_in_dim3A_42 : i32 to vector<16xi32>
      %jit3A_44 = arith.constant 2 : i32
      %div3A_45 = arith.divsi %select_n3A, %jit3A_44 : i32
      %sign3A_46 = arith.constant 0 : i32
      %sign3A_47 = arith.cmpi sgt, %select_n3A, %sign3A_46 : i32
      %sign3A_48 = arith.extui %sign3A_47 : i1 to i32
      %sign3A_49 = arith.constant 0 : i32
      %sign3A_50 = arith.cmpi slt, %select_n3A, %sign3A_49 : i32
      %sign3A_51 = arith.extui %sign3A_50 : i1 to i32
      %sign3A_52 = arith.subi %sign3A_48, %sign3A_51 : i32
      %sign3A_53 = arith.constant 0 : i32
      %sign3A_54 = arith.cmpi sgt, %jit3A_44, %sign3A_53 : i32
      %sign3A_55 = arith.extui %sign3A_54 : i1 to i32
      %sign3A_56 = arith.constant 0 : i32
      %sign3A_57 = arith.cmpi slt, %jit3A_44, %sign3A_56 : i32
      %sign3A_58 = arith.extui %sign3A_57 : i1 to i32
      %sign3A_59 = arith.subi %sign3A_55, %sign3A_58 : i32
      %ne3A_60 = arith.cmpi ne, %sign3A_52, %sign3A_59 : i32
      %rem3A_61 = arith.remsi %select_n3A, %jit3A_44 : i32
      %ne3A_62 = arith.constant 0 : i32
      %ne3A_63 = arith.cmpi ne, %rem3A_61, %ne3A_62 : i32
      %and3A_64 = arith.andi %ne3A_60, %ne3A_63 : i1
      %sub3A_65 = arith.constant 1 : i32
      %sub3A_66 = arith.subi %div3A_45, %sub3A_65 : i32
      %select_n3A_67 = arith.select %and3A_64, %sub3A_66, %div3A_45 : i32
      %parallel_loop3A_68 = arith.constant 0 : i32
      %parallel_loop3A_69 = arith.constant 1 : i32
      %parallel_loop3A_70 = scf.for %parallel_loop3A_159 = %parallel_loop3A_68 to %select_n3A_67 step %parallel_loop3A_69 iter_args(%parallel_loop3A_160 = %broadcast_in_dim3A_43) -> (vector<16xi32>)  : i32 {
        %parallel_loop3A_161 = arith.constant 32 : i32
        %parallel_loop3A_162 = arith.muli %parallel_loop3A_159, %parallel_loop3A_161 : i32
        %parallel_loop3A_163 = arith.constant 0 : i32
        %parallel_loop3A_164 = arith.addi %parallel_loop3A_162, %parallel_loop3A_163 : i32
        %parallel_loop3A_165 = arith.index_cast %parallel_loop3A_164 : i32 to index
        %parallel_loop3A_166 = tpu.vector_load %arg6[%parallel_loop3A_165] {strides = array<i32>} : memref<6272xf32, #tpu.memory_space<vmem>>, vector<16xf32>,
        %parallel_loop3A_167 = arith.addi %mul3A_2, %parallel_loop3A_162 : i32
        %parallel_loop3A_168 = arith.constant 0 : i32
        %parallel_loop3A_169 = arith.addi %parallel_loop3A_167, %parallel_loop3A_168 : i32
        %parallel_loop3A_170 = vector.broadcast %parallel_loop3A_169 : i32 to vector<16xi32>
        %parallel_loop3A_171 = arith.addi %iota3A, %parallel_loop3A_170 : vector<16xi32>
        %parallel_loop3A_172 = vector.broadcast %reduce_min3A_38 : f32 to vector<16xf32>
        %parallel_loop3A_173 = arith.cmpf oge, %parallel_loop3A_166, %parallel_loop3A_172 : vector<16xf32>
        %parallel_loop3A_174 = vector.broadcast %reduce_max3A_41 : f32 to vector<16xf32>
        %parallel_loop3A_175 = arith.cmpf ole, %parallel_loop3A_166, %parallel_loop3A_174 : vector<16xf32>
        %parallel_loop3A_176 = arith.ori %parallel_loop3A_173, %parallel_loop3A_175 : vector<16xi1>
        %parallel_loop3A_177 = arith.extui %parallel_loop3A_176 : vector<16xi1> to vector<16xi32>
        %parallel_loop3A_178 = arith.constant true
        %parallel_loop3A_179 = vector.broadcast %parallel_loop3A_178 : i1 to vector<16xi1>
        %parallel_loop3A_180 = tpu.scan <sum>, %parallel_loop3A_177 masked %parallel_loop3A_179 : vector<16xi32>, vector<16xi1> -> vector<16xi32>
        %parallel_loop3A_181 = arith.addi %parallel_loop3A_160, %parallel_loop3A_180 : vector<16xi32>
        %parallel_loop3A_182 = arith.constant 1 : i32
        %parallel_loop3A_183 = vector.broadcast %parallel_loop3A_182 : i32 to vector<16xi32>
        %parallel_loop3A_184 = arith.subi %parallel_loop3A_181, %parallel_loop3A_183 : vector<16xi32>
        tpu.vector_store_idx %arg7[%parallel_loop3A_184], %parallel_loop3A_166 masked %parallel_loop3A_176 : memref<6288xf32, #tpu.memory_space<vmem>>[vector<16xi32>], vector<16xf32>, vector<16xi1>
        tpu.vector_store_idx %arg8[%parallel_loop3A_184], %parallel_loop3A_171 masked %parallel_loop3A_176 : memref<6288xi32, #tpu.memory_space<vmem>>[vector<16xi32>], vector<16xi32>, vector<16xi1>
        %parallel_loop3A_185 = tpu.all_reduce %parallel_loop3A_176 {dim = 0 : i64, kind = #tpu.reduction_kind<sum>} : vector<16xi1> -> vector<16xi32>
        %parallel_loop3A_186 = arith.addi %parallel_loop3A_160, %parallel_loop3A_185 : vector<16xi32>
        %parallel_loop3A_187 = arith.constant 16 : i32
        %parallel_loop3A_188 = arith.addi %parallel_loop3A_162, %parallel_loop3A_187 : i32
        %parallel_loop3A_189 = arith.index_cast %parallel_loop3A_188 : i32 to index
        %parallel_loop3A_190 = tpu.vector_load %arg6[%parallel_loop3A_189] {strides = array<i32>} : memref<6272xf32, #tpu.memory_space<vmem>>, vector<16xf32>,
        %parallel_loop3A_191 = arith.addi %mul3A_2, %parallel_loop3A_162 : i32
        %parallel_loop3A_192 = arith.constant 16 : i32
        %parallel_loop3A_193 = arith.addi %parallel_loop3A_191, %parallel_loop3A_192 : i32
        %parallel_loop3A_194 = vector.broadcast %parallel_loop3A_193 : i32 to vector<16xi32>
        %parallel_loop3A_195 = arith.addi %iota3A, %parallel_loop3A_194 : vector<16xi32>
        %parallel_loop3A_196 = vector.broadcast %reduce_min3A_38 : f32 to vector<16xf32>
        %parallel_loop3A_197 = arith.cmpf oge, %parallel_loop3A_190, %parallel_loop3A_196 : vector<16xf32>
        %parallel_loop3A_198 = vector.broadcast %reduce_max3A_41 : f32 to vector<16xf32>
        %parallel_loop3A_199 = arith.cmpf ole, %parallel_loop3A_190, %parallel_loop3A_198 : vector<16xf32>
        %parallel_loop3A_200 = arith.ori %parallel_loop3A_197, %parallel_loop3A_199 : vector<16xi1>
        %parallel_loop3A_201 = arith.extui %parallel_loop3A_200 : vector<16xi1> to vector<16xi32>
        %parallel_loop3A_202 = arith.constant true
        %parallel_loop3A_203 = vector.broadcast %parallel_loop3A_202 : i1 to vector<16xi1>
        %parallel_loop3A_204 = tpu.scan <sum>, %parallel_loop3A_201 masked %parallel_loop3A_203 : vector<16xi32>, vector<16xi1> -> vector<16xi32>
        %parallel_loop3A_205 = arith.addi %parallel_loop3A_186, %parallel_loop3A_204 : vector<16xi32>
        %parallel_loop3A_206 = arith.constant 1 : i32
        %parallel_loop3A_207 = vector.broadcast %parallel_loop3A_206 : i32 to vector<16xi32>
        %parallel_loop3A_208 = arith.subi %parallel_loop3A_205, %parallel_loop3A_207 : vector<16xi32>
        tpu.vector_store_idx %arg7[%parallel_loop3A_208], %parallel_loop3A_190 masked %parallel_loop3A_200 : memref<6288xf32, #tpu.memory_space<vmem>>[vector<16xi32>], vector<16xf32>, vector<16xi1>
        tpu.vector_store_idx %arg8[%parallel_loop3A_208], %parallel_loop3A_195 masked %parallel_loop3A_200 : memref<6288xi32, #tpu.memory_space<vmem>>[vector<16xi32>], vector<16xi32>, vector<16xi1>
        %parallel_loop3A_209 = tpu.all_reduce %parallel_loop3A_200 {dim = 0 : i64, kind = #tpu.reduction_kind<sum>} : vector<16xi1> -> vector<16xi32>
        %parallel_loop3A_210 = arith.addi %parallel_loop3A_186, %parallel_loop3A_209 : vector<16xi32>
        scf.yield %parallel_loop3A_210 : vector<16xi32>
      } {sc.loop_unroll_factor = 8 : i64, sc.parallel_access}
      %reduce_max3A_71 = arith.constant true
      %reduce_max3A_72 = vector.broadcast %reduce_max3A_71 : i1 to vector<16xi1>
      %reduce_max3A_73 = arith.constant -2147483648 : i32
      %reduce_max3A_74 = vector.broadcast %reduce_max3A_73 : i32 to vector<16xi32>
      %reduce_max3A_75 = arith.xori %parallel_loop3A_70, %reduce_max3A_74 : vector<16xi32>
      %reduce_max3A_76 = tpu.scan <max>, %reduce_max3A_75 masked %reduce_max3A_72 : vector<16xi32>, vector<16xi1> -> vector<16xi32>
      %reduce_max3A_77 = arith.xori %reduce_max3A_76, %reduce_max3A_74 : vector<16xi32>
      %reduce_max3A_78 = vector.extract %reduce_max3A_77[15] : i32 from vector<16xi32>
      %masked_sort3A = arith.constant dense<true> : vector<16xi1>
      %masked_sort3A_79, %masked_sort3A_80, %masked_sort3A_81 = tpu.sort %parallel_loop3A_35#0, %iota3A masked %masked_sort3A {descending = true} : (vector<16xf32>, vector<16xi32>, vector<16xi1>) -> (vector<16xi1>, vector<16xf32>, vector<16xi32>)
      %masked_sort3A_82 = arith.constant dense<true> : vector<16xi1>
      %masked_sort3A_83, %masked_sort3A_84, %masked_sort3A_85 = tpu.sort %parallel_loop3A_35#1, %iota3A masked %masked_sort3A_82 {descending = true} : (vector<16xf32>, vector<16xi32>, vector<16xi1>) -> (vector<16xi1>, vector<16xf32>, vector<16xi32>)
      %rev3A = arith.constant 15 : i32
      %rev3A_86 = vector.broadcast %rev3A : i32 to vector<16xi32>
      %rev3A_87 = tpu.iota {dimensions = array<i32: 0>} : vector<16xi32>
      %rev3A_88 = arith.subi %rev3A_86, %rev3A_87 : vector<16xi32>
      %rev3A_89 = tpu.dynamic_gather %masked_sort3A_84[%rev3A_88] in [0] : vector<16xf32>, vector<16xi32> -> vector<16xf32>
      %max3A = arith.maximumf %masked_sort3A_80, %rev3A_89 : vector<16xf32>
      %reduce_min3A_90 = arith.constant true
      %reduce_min3A_91 = vector.broadcast %reduce_min3A_90 : i1 to vector<16xi1>
      %reduce_min3A_92 = tpu.scan <min>, %max3A masked %reduce_min3A_91 : vector<16xf32>, vector<16xi1> -> vector<16xf32>
      %reduce_min3A_93 = vector.extract %reduce_min3A_92[15] : f32 from vector<16xf32>
      %or3A = arith.constant 2147483647 : i32
      %or3A_94 = vector.broadcast %or3A : i32 to vector<16xi32>
      %or3A_95 = arith.ori %iota3A, %or3A_94 : vector<16xi32>
      %add3A = arith.addi %parallel_loop3A_70, %iota3A : vector<16xi32>
      %broadcast_in_dim3A_96 = vector.broadcast %reduce_min3A_93 : f32 to vector<16xf32>
      tpu.vector_store_idx %arg7[%add3A], %broadcast_in_dim3A_96 : memref<6288xf32, #tpu.memory_space<vmem>>[vector<16xi32>], vector<16xf32>,
      %add3A_97 = arith.addi %parallel_loop3A_70, %iota3A : vector<16xi32>
      tpu.vector_store_idx %arg8[%add3A_97], %or3A_95 : memref<6288xi32, #tpu.memory_space<vmem>>[vector<16xi32>], vector<16xi32>,
      %broadcast_in_dim3A_98 = arith.constant 2147483647 : i32
      %broadcast_in_dim3A_99 = vector.broadcast %broadcast_in_dim3A_98 : i32 to vector<16xi32>
      %add3A_100 = arith.constant 16 : i32
      %add3A_101 = arith.addi %reduce_max3A_78, %add3A_100 : i32
      %sub3A_102 = arith.constant 1 : i32
      %sub3A_103 = arith.subi %add3A_101, %sub3A_102 : i32
      %jit3A_104 = arith.constant 16 : i32
      %div3A_105 = arith.divsi %sub3A_103, %jit3A_104 : i32
      %sign3A_106 = arith.constant 0 : i32
      %sign3A_107 = arith.cmpi sgt, %sub3A_103, %sign3A_106 : i32
      %sign3A_108 = arith.extui %sign3A_107 : i1 to i32
      %sign3A_109 = arith.constant 0 : i32
      %sign3A_110 = arith.cmpi slt, %sub3A_103, %sign3A_109 : i32
      %sign3A_111 = arith.extui %sign3A_110 : i1 to i32
      %sign3A_112 = arith.subi %sign3A_108, %sign3A_111 : i32
      %sign3A_113 = arith.constant 0 : i32
      %sign3A_114 = arith.cmpi sgt, %jit3A_104, %sign3A_113 : i32
      %sign3A_115 = arith.extui %sign3A_114 : i1 to i32
      %sign3A_116 = arith.constant 0 : i32
      %sign3A_117 = arith.cmpi slt, %jit3A_104, %sign3A_116 : i32
      %sign3A_118 = arith.extui %sign3A_117 : i1 to i32
      %sign3A_119 = arith.subi %sign3A_115, %sign3A_118 : i32
      %ne3A_120 = arith.cmpi ne, %sign3A_112, %sign3A_119 : i32
      %rem3A_121 = arith.remsi %sub3A_103, %jit3A_104 : i32
      %ne3A_122 = arith.constant 0 : i32
      %ne3A_123 = arith.cmpi ne, %rem3A_121, %ne3A_122 : i32
      %and3A_124 = arith.andi %ne3A_120, %ne3A_123 : i1
      %sub3A_125 = arith.constant 1 : i32
      %sub3A_126 = arith.subi %div3A_105, %sub3A_125 : i32
      %select_n3A_127 = arith.select %and3A_124, %sub3A_126, %div3A_105 : i32
      %broadcast_in_dim3A_128 = arith.constant -3.40282347E+38 : f32
      %broadcast_in_dim3A_129 = vector.broadcast %broadcast_in_dim3A_128 : f32 to vector<16xf32>
      %broadcast_in_dim3A_130 = arith.constant 3.40282347E+38 : f32
      %broadcast_in_dim3A_131 = vector.broadcast %broadcast_in_dim3A_130 : f32 to vector<16xf32>
      %while3A = arith.constant 0 : i32
      %while3A_132 = arith.subi %select_n3A_127, %while3A : i32
      %while3A_133 = arith.addi %while3A, %while3A_132 : i32
      %while3A_134 = arith.constant 1 : i32
      %while3A_135 = arith.divsi %while3A_132, %while3A_134 : i32
      %while3A_136 = arith.muli %while3A_135, %while3A_134 : i32
      %while3A_137 = arith.addi %while3A, %while3A_136 : i32
      %while3A_138 = arith.constant 1 : i32
      %while3A_139:4 = scf.for %while3A_159 = %while3A to %while3A_137 step %while3A_138 iter_args(%while3A_160 = %broadcast_in_dim3A_129, %while3A_161 = %broadcast_in_dim3A_99, %while3A_162 = %broadcast_in_dim3A_131, %while3A_163 = %broadcast_in_dim3A_99) -> (vector<16xf32>, vector<16xi32>, vector<16xf32>, vector<16xi32>)  : i32 {
        %mul3A_164 = arith.constant 16 : i32
        %mul3A_165 = arith.muli %while3A_159, %mul3A_164 : i32
        %get3A = arith.index_cast %mul3A_165 : i32 to index
        %get3A_166 = tpu.vector_load %arg7[%get3A] {strides = array<i32>} : memref<6288xf32, #tpu.memory_space<vmem>>, vector<16xf32>,
        %mul3A_167 = arith.constant 16 : i32
        %mul3A_168 = arith.muli %while3A_159, %mul3A_167 : i32
        %get3A_169 = arith.index_cast %mul3A_168 : i32 to index
        %get3A_170 = tpu.vector_load %arg8[%get3A_169] {strides = array<i32>} : memref<6288xi32, #tpu.memory_space<vmem>>, vector<16xi32>,
        %masked_sort3A_171 = arith.constant dense<true> : vector<16xi1>
        %masked_sort3A_172, %masked_sort3A_173, %masked_sort3A_174 = tpu.sort %get3A_166, %get3A_170 masked %masked_sort3A_171 {descending = true} : (vector<16xf32>, vector<16xi32>, vector<16xi1>) -> (vector<16xi1>, vector<16xf32>, vector<16xi32>)
        %rev3A_175 = arith.constant 15 : i32
        %rev3A_176 = vector.broadcast %rev3A_175 : i32 to vector<16xi32>
        %rev3A_177 = tpu.iota {dimensions = array<i32: 0>} : vector<16xi32>
        %rev3A_178 = arith.subi %rev3A_176, %rev3A_177 : vector<16xi32>
        %rev3A_179 = tpu.dynamic_gather %masked_sort3A_173[%rev3A_178] in [0] : vector<16xf32>, vector<16xi32> -> vector<16xf32>
        %rev3A_180 = arith.constant 15 : i32
        %rev3A_181 = vector.broadcast %rev3A_180 : i32 to vector<16xi32>
        %rev3A_182 = tpu.iota {dimensions = array<i32: 0>} : vector<16xi32>
        %rev3A_183 = arith.subi %rev3A_181, %rev3A_182 : vector<16xi32>
        %rev3A_184 = tpu.dynamic_gather %masked_sort3A_174[%rev3A_183] in [0] : vector<16xi32>, vector<16xi32> -> vector<16xi32>
        %gt3A = arith.cmpf ogt, %while3A_160, %rev3A_179 : vector<16xf32>
        %eq3A_185 = arith.cmpf oeq, %while3A_160, %rev3A_179 : vector<16xf32>
        %lt3A = arith.cmpi slt, %while3A_161, %rev3A_184 : vector<16xi32>
        %and3A_186 = arith.andi %eq3A_185, %lt3A : vector<16xi1>
        %or3A_187 = arith.ori %gt3A, %and3A_186 : vector<16xi1>
        %select_n3A_188 = arith.select %or3A_187, %while3A_160, %rev3A_179 : vector<16xi1>, vector<16xf32>
        %select_n3A_189 = arith.select %or3A_187, %while3A_161, %rev3A_184 : vector<16xi1>, vector<16xi32>
        %masked_sort3A_190 = arith.constant dense<true> : vector<16xi1>
        %masked_sort3A_191, %masked_sort3A_192, %masked_sort3A_193 = tpu.sort %select_n3A_188, %select_n3A_189 masked %masked_sort3A_190 {descending = true} : (vector<16xf32>, vector<16xi32>, vector<16xi1>) -> (vector<16xi1>, vector<16xf32>, vector<16xi32>)
        %rev3A_194 = arith.constant 15 : i32
        %rev3A_195 = vector.broadcast %rev3A_194 : i32 to vector<16xi32>
        %rev3A_196 = tpu.iota {dimensions = array<i32: 0>} : vector<16xi32>
        %rev3A_197 = arith.subi %rev3A_195, %rev3A_196 : vector<16xi32>
        %rev3A_198 = tpu.dynamic_gather %masked_sort3A_173[%rev3A_197] in [0] : vector<16xf32>, vector<16xi32> -> vector<16xf32>
        %rev3A_199 = arith.constant 15 : i32
        %rev3A_200 = vector.broadcast %rev3A_199 : i32 to vector<16xi32>
        %rev3A_201 = tpu.iota {dimensions = array<i32: 0>} : vector<16xi32>
        %rev3A_202 = arith.subi %rev3A_200, %rev3A_201 : vector<16xi32>
        %rev3A_203 = tpu.dynamic_gather %masked_sort3A_174[%rev3A_202] in [0] : vector<16xi32>, vector<16xi32> -> vector<16xi32>
        %rev3A_204 = arith.constant 15 : i32
        %rev3A_205 = vector.broadcast %rev3A_204 : i32 to vector<16xi32>
        %rev3A_206 = tpu.iota {dimensions = array<i32: 0>} : vector<16xi32>
        %rev3A_207 = arith.subi %rev3A_205, %rev3A_206 : vector<16xi32>
        %rev3A_208 = tpu.dynamic_gather %rev3A_198[%rev3A_207] in [0] : vector<16xf32>, vector<16xi32> -> vector<16xf32>
        %rev3A_209 = arith.constant 15 : i32
        %rev3A_210 = vector.broadcast %rev3A_209 : i32 to vector<16xi32>
        %rev3A_211 = tpu.iota {dimensions = array<i32: 0>} : vector<16xi32>
        %rev3A_212 = arith.subi %rev3A_210, %rev3A_211 : vector<16xi32>
        %rev3A_213 = tpu.dynamic_gather %rev3A_203[%rev3A_212] in [0] : vector<16xi32>, vector<16xi32> -> vector<16xi32>
        %lt3A_214 = arith.cmpf olt, %while3A_162, %rev3A_208 : vector<16xf32>
        %eq3A_215 = arith.cmpf oeq, %while3A_162, %rev3A_208 : vector<16xf32>
        %lt3A_216 = arith.cmpi slt, %while3A_163, %rev3A_213 : vector<16xi32>
        %and3A_217 = arith.andi %eq3A_215, %lt3A_216 : vector<16xi1>
        %or3A_218 = arith.ori %lt3A_214, %and3A_217 : vector<16xi1>
        %select_n3A_219 = arith.select %or3A_218, %while3A_162, %rev3A_208 : vector<16xi1>, vector<16xf32>
        %select_n3A_220 = arith.select %or3A_218, %while3A_163, %rev3A_213 : vector<16xi1>, vector<16xi32>
        %masked_sort3A_221 = arith.constant dense<true> : vector<16xi1>
        %masked_sort3A_222, %masked_sort3A_223, %masked_sort3A_224 = tpu.sort %select_n3A_219, %select_n3A_220 masked %masked_sort3A_221 : (vector<16xf32>, vector<16xi32>, vector<16xi1>) -> (vector<16xi1>, vector<16xf32>, vector<16xi32>)
        scf.yield %masked_sort3A_192, %masked_sort3A_193, %masked_sort3A_223, %masked_sort3A_224 : vector<16xf32>, vector<16xi32>, vector<16xf32>, vector<16xi32>
      }
      %while3A_140 = arith.constant 1 : i32
      %while3A_141:4 = scf.for %while3A_159 = %while3A_137 to %while3A_133 step %while3A_140 iter_args(%while3A_160 = %while3A_139#0, %while3A_161 = %while3A_139#1, %while3A_162 = %while3A_139#2, %while3A_163 = %while3A_139#3) -> (vector<16xf32>, vector<16xi32>, vector<16xf32>, vector<16xi32>)  : i32 {
        %mul3A_164 = arith.constant 16 : i32
        %mul3A_165 = arith.muli %while3A_159, %mul3A_164 : i32
        %get3A = arith.index_cast %mul3A_165 : i32 to index
        %get3A_166 = tpu.vector_load %arg7[%get3A] {strides = array<i32>} : memref<6288xf32, #tpu.memory_space<vmem>>, vector<16xf32>,
        %mul3A_167 = arith.constant 16 : i32
        %mul3A_168 = arith.muli %while3A_159, %mul3A_167 : i32
        %get3A_169 = arith.index_cast %mul3A_168 : i32 to index
        %get3A_170 = tpu.vector_load %arg8[%get3A_169] {strides = array<i32>} : memref<6288xi32, #tpu.memory_space<vmem>>, vector<16xi32>,
        %masked_sort3A_171 = arith.constant dense<true> : vector<16xi1>
        %masked_sort3A_172, %masked_sort3A_173, %masked_sort3A_174 = tpu.sort %get3A_166, %get3A_170 masked %masked_sort3A_171 {descending = true} : (vector<16xf32>, vector<16xi32>, vector<16xi1>) -> (vector<16xi1>, vector<16xf32>, vector<16xi32>)
        %rev3A_175 = arith.constant 15 : i32
        %rev3A_176 = vector.broadcast %rev3A_175 : i32 to vector<16xi32>
        %rev3A_177 = tpu.iota {dimensions = array<i32: 0>} : vector<16xi32>
        %rev3A_178 = arith.subi %rev3A_176, %rev3A_177 : vector<16xi32>
        %rev3A_179 = tpu.dynamic_gather %masked_sort3A_173[%rev3A_178] in [0] : vector<16xf32>, vector<16xi32> -> vector<16xf32>
        %rev3A_180 = arith.constant 15 : i32
        %rev3A_181 = vector.broadcast %rev3A_180 : i32 to vector<16xi32>
        %rev3A_182 = tpu.iota {dimensions = array<i32: 0>} : vector<16xi32>
        %rev3A_183 = arith.subi %rev3A_181, %rev3A_182 : vector<16xi32>
        %rev3A_184 = tpu.dynamic_gather %masked_sort3A_174[%rev3A_183] in [0] : vector<16xi32>, vector<16xi32> -> vector<16xi32>
        %gt3A = arith.cmpf ogt, %while3A_160, %rev3A_179 : vector<16xf32>
        %eq3A_185 = arith.cmpf oeq, %while3A_160, %rev3A_179 : vector<16xf32>
        %lt3A = arith.cmpi slt, %while3A_161, %rev3A_184 : vector<16xi32>
        %and3A_186 = arith.andi %eq3A_185, %lt3A : vector<16xi1>
        %or3A_187 = arith.ori %gt3A, %and3A_186 : vector<16xi1>
        %select_n3A_188 = arith.select %or3A_187, %while3A_160, %rev3A_179 : vector<16xi1>, vector<16xf32>
        %select_n3A_189 = arith.select %or3A_187, %while3A_161, %rev3A_184 : vector<16xi1>, vector<16xi32>
        %masked_sort3A_190 = arith.constant dense<true> : vector<16xi1>
        %masked_sort3A_191, %masked_sort3A_192, %masked_sort3A_193 = tpu.sort %select_n3A_188, %select_n3A_189 masked %masked_sort3A_190 {descending = true} : (vector<16xf32>, vector<16xi32>, vector<16xi1>) -> (vector<16xi1>, vector<16xf32>, vector<16xi32>)
        %rev3A_194 = arith.constant 15 : i32
        %rev3A_195 = vector.broadcast %rev3A_194 : i32 to vector<16xi32>
        %rev3A_196 = tpu.iota {dimensions = array<i32: 0>} : vector<16xi32>
        %rev3A_197 = arith.subi %rev3A_195, %rev3A_196 : vector<16xi32>
        %rev3A_198 = tpu.dynamic_gather %masked_sort3A_173[%rev3A_197] in [0] : vector<16xf32>, vector<16xi32> -> vector<16xf32>
        %rev3A_199 = arith.constant 15 : i32
        %rev3A_200 = vector.broadcast %rev3A_199 : i32 to vector<16xi32>
        %rev3A_201 = tpu.iota {dimensions = array<i32: 0>} : vector<16xi32>
        %rev3A_202 = arith.subi %rev3A_200, %rev3A_201 : vector<16xi32>
        %rev3A_203 = tpu.dynamic_gather %masked_sort3A_174[%rev3A_202] in [0] : vector<16xi32>, vector<16xi32> -> vector<16xi32>
        %rev3A_204 = arith.constant 15 : i32
        %rev3A_205 = vector.broadcast %rev3A_204 : i32 to vector<16xi32>
        %rev3A_206 = tpu.iota {dimensions = array<i32: 0>} : vector<16xi32>
        %rev3A_207 = arith.subi %rev3A_205, %rev3A_206 : vector<16xi32>
        %rev3A_208 = tpu.dynamic_gather %rev3A_198[%rev3A_207] in [0] : vector<16xf32>, vector<16xi32> -> vector<16xf32>
        %rev3A_209 = arith.constant 15 : i32
        %rev3A_210 = vector.broadcast %rev3A_209 : i32 to vector<16xi32>
        %rev3A_211 = tpu.iota {dimensions = array<i32: 0>} : vector<16xi32>
        %rev3A_212 = arith.subi %rev3A_210, %rev3A_211 : vector<16xi32>
        %rev3A_213 = tpu.dynamic_gather %rev3A_203[%rev3A_212] in [0] : vector<16xi32>, vector<16xi32> -> vector<16xi32>
        %lt3A_214 = arith.cmpf olt, %while3A_162, %rev3A_208 : vector<16xf32>
        %eq3A_215 = arith.cmpf oeq, %while3A_162, %rev3A_208 : vector<16xf32>
        %lt3A_216 = arith.cmpi slt, %while3A_163, %rev3A_213 : vector<16xi32>
        %and3A_217 = arith.andi %eq3A_215, %lt3A_216 : vector<16xi1>
        %or3A_218 = arith.ori %lt3A_214, %and3A_217 : vector<16xi1>
        %select_n3A_219 = arith.select %or3A_218, %while3A_162, %rev3A_208 : vector<16xi1>, vector<16xf32>
        %select_n3A_220 = arith.select %or3A_218, %while3A_163, %rev3A_213 : vector<16xi1>, vector<16xi32>
        %masked_sort3A_221 = arith.constant dense<true> : vector<16xi1>
        %masked_sort3A_222, %masked_sort3A_223, %masked_sort3A_224 = tpu.sort %select_n3A_219, %select_n3A_220 masked %masked_sort3A_221 : (vector<16xf32>, vector<16xi32>, vector<16xi1>) -> (vector<16xi1>, vector<16xf32>, vector<16xi32>)
        scf.yield %masked_sort3A_192, %masked_sort3A_193, %masked_sort3A_223, %masked_sort3A_224 : vector<16xf32>, vector<16xi32>, vector<16xf32>, vector<16xi32>
      }
      %swap3A = arith.constant 0 : index
      %swap3A_142 = tpu.vector_load %arg9[%swap3A] {strides = array<i32>} : memref<64xf32, #tpu.memory_space<vmem>>, vector<16xf32>,
      tpu.vector_store %arg9[%swap3A], %while3A_141#0 {strides = array<i32>} : memref<64xf32, #tpu.memory_space<vmem>>, vector<16xf32>,
      %bitcast3A = vector.bitcast %while3A_141#1 : vector<16xi32> to vector<16xf32>
      %swap3A_143 = arith.constant 16 : index
      %swap3A_144 = tpu.vector_load %arg9[%swap3A_143] {strides = array<i32>} : memref<64xf32, #tpu.memory_space<vmem>>, vector<16xf32>,
      tpu.vector_store %arg9[%swap3A_143], %bitcast3A {strides = array<i32>} : memref<64xf32, #tpu.memory_space<vmem>>, vector<16xf32>,
      %swap3A_145 = arith.constant 32 : index
      %swap3A_146 = tpu.vector_load %arg9[%swap3A_145] {strides = array<i32>} : memref<64xf32, #tpu.memory_space<vmem>>, vector<16xf32>,
      tpu.vector_store %arg9[%swap3A_145], %while3A_141#2 {strides = array<i32>} : memref<64xf32, #tpu.memory_space<vmem>>, vector<16xf32>,
      %bitcast3A_147 = vector.bitcast %while3A_141#3 : vector<16xi32> to vector<16xf32>
      %swap3A_148 = arith.constant 48 : index
      %swap3A_149 = tpu.vector_load %arg9[%swap3A_148] {strides = array<i32>} : memref<64xf32, #tpu.memory_space<vmem>>, vector<16xf32>,
      tpu.vector_store %arg9[%swap3A_148], %bitcast3A_147 {strides = array<i32>} : memref<64xf32, #tpu.memory_space<vmem>>, vector<16xf32>,
      %mul3A_150 = arith.constant 4 : i32
      %mul3A_151 = arith.muli %arg1, %mul3A_150 : i32
      %mul3A_152 = arith.constant 16 : i32
      %mul3A_153 = arith.muli %mul3A_151, %mul3A_152 : i32
      "tpu.region"() ({
        %run_scoped3A = tpu.sem_alloc : memref<!tpu.dma_semaphore, #tpu.memory_space<semaphore_mem>>
        %dma_start3A = tpu.memref_slice %arg11[%mul3A_153] : memref<1024xf32, #tpu.memory_space<vmem_shared>> -> memref<64xf32, #tpu.memory_space<vmem_shared>>
        %dma_start3A_159 = tpu.memref_slice %arg11[%mul3A_153] : memref<1024xf32, #tpu.memory_space<vmem_shared>> -> memref<64xf32, #tpu.memory_space<vmem_shared>>
        tpu.enqueue_dma source(%arg9 : memref<64xf32, #tpu.memory_space<vmem>>) target(%dma_start3A_159 : memref<64xf32, #tpu.memory_space<vmem_shared>>) target_semaphore(%run_scoped3A : memref<!tpu.dma_semaphore, #tpu.memory_space<semaphore_mem>>)
        %dma_wait3A = tpu.memref_slice %arg11[%mul3A_153] : memref<1024xf32, #tpu.memory_space<vmem_shared>> -> memref<64xf32, #tpu.memory_space<vmem_shared>>
        %dma_wait3A_160 = tpu.memref_slice %arg11[%mul3A_153] : memref<1024xf32, #tpu.memory_space<vmem_shared>> -> memref<64xf32, #tpu.memory_space<vmem_shared>>
        tpu.wait_dma2 semaphore(%run_scoped3A : memref<!tpu.dma_semaphore, #tpu.memory_space<semaphore_mem>>) src(%arg9 : memref<64xf32, #tpu.memory_space<vmem>>) dst(%dma_wait3A_160 : memref<64xf32, #tpu.memory_space<vmem_shared>>)
        tpu.yield
      }) : () -> ()
      %barrier3A = arith.constant 0 : index
      tpu.barrier barrier_id(%barrier3A)
      %eq3A_154 = arith.constant 0 : i32
      %eq3A_155 = arith.cmpi eq, %arg1, %eq3A_154 : i32
      %convert_element_type3A_156 = arith.extui %eq3A_155 : i1 to i32
      %cond3A_157 = arith.constant 0 : i32
      %cond3A_158 = arith.cmpi ne, %convert_element_type3A_156, %cond3A_157 : i32
      scf.if %cond3A_158 {
        "tpu.region"() ({
          %run_scoped3A = tpu.sem_alloc : memref<!tpu.dma_semaphore, #tpu.memory_space<semaphore_mem>>
          tpu.enqueue_dma source(%arg11 : memref<1024xf32, #tpu.memory_space<vmem_shared>>) target(%arg10 : memref<1024xf32, #tpu.memory_space<vmem>>) target_semaphore(%run_scoped3A : memref<!tpu.dma_semaphore, #tpu.memory_space<semaphore_mem>>)
          tpu.wait_dma2 semaphore(%run_scoped3A : memref<!tpu.dma_semaphore, #tpu.memory_space<semaphore_mem>>) src(%arg11 : memref<1024xf32, #tpu.memory_space<vmem_shared>>) dst(%arg10 : memref<1024xf32, #tpu.memory_space<vmem>>)
          tpu.yield
        }) : () -> ()
        %get3A = arith.constant 0 : index
        %get3A_159 = tpu.vector_load %arg10[%get3A] {strides = array<i32>} : memref<1024xf32, #tpu.memory_space<vmem>>, vector<16xf32>,
        %get3A_160 = arith.constant 16 : index
        %get3A_161 = tpu.vector_load %arg10[%get3A_160] {strides = array<i32>} : memref<1024xf32, #tpu.memory_space<vmem>>, vector<16xf32>,
        %bitcast3A_162 = vector.bitcast %get3A_161 : vector<16xf32> to vector<16xi32>
        %get3A_163 = arith.constant 32 : index
        %get3A_164 = tpu.vector_load %arg10[%get3A_163] {strides = array<i32>} : memref<1024xf32, #tpu.memory_space<vmem>>, vector<16xf32>,
        %get3A_165 = arith.constant 48 : index
        %get3A_166 = tpu.vector_load %arg10[%get3A_165] {strides = array<i32>} : memref<1024xf32, #tpu.memory_space<vmem>>, vector<16xf32>,
        %bitcast3A_167 = vector.bitcast %get3A_166 : vector<16xf32> to vector<16xi32>
        %scan3A = arith.constant 1 : i32
        %scan3A_168 = arith.constant 15 : i32
        %scan3A_169 = arith.addi %scan3A, %scan3A_168 : i32
        %scan3A_170 = arith.constant 1 : i32
        %scan3A_171:4 = scf.for %scan3A_195 = %scan3A to %scan3A_169 step %scan3A_170 iter_args(%scan3A_196 = %get3A_159, %scan3A_197 = %bitcast3A_162, %scan3A_198 = %get3A_164, %scan3A_199 = %bitcast3A_167) -> (vector<16xf32>, vector<16xi32>, vector<16xf32>, vector<16xi32>)  : i32 {
          %mul3A_200 = arith.constant 4 : i32
          %mul3A_201 = arith.muli %scan3A_195, %mul3A_200 : i32
          %mul3A_202 = arith.constant 16 : i32
          %mul3A_203 = arith.muli %mul3A_201, %mul3A_202 : i32
          %get3A_204 = arith.index_cast %mul3A_203 : i32 to index
          %get3A_205 = tpu.vector_load %arg10[%get3A_204] {strides = array<i32>} : memref<1024xf32, #tpu.memory_space<vmem>>, vector<16xf32>,
          %add3A_206 = arith.constant 16 : i32
          %add3A_207 = arith.addi %mul3A_203, %add3A_206 : i32
          %get3A_208 = arith.index_cast %add3A_207 : i32 to index
          %get3A_209 = tpu.vector_load %arg10[%get3A_208] {strides = array<i32>} : memref<1024xf32, #tpu.memory_space<vmem>>, vector<16xf32>,
          %bitcast3A_210 = vector.bitcast %get3A_209 : vector<16xf32> to vector<16xi32>
          %add3A_211 = arith.constant 32 : i32
          %add3A_212 = arith.addi %mul3A_203, %add3A_211 : i32
          %get3A_213 = arith.index_cast %add3A_212 : i32 to index
          %get3A_214 = tpu.vector_load %arg10[%get3A_213] {strides = array<i32>} : memref<1024xf32, #tpu.memory_space<vmem>>, vector<16xf32>,
          %add3A_215 = arith.constant 48 : i32
          %add3A_216 = arith.addi %mul3A_203, %add3A_215 : i32
          %get3A_217 = arith.index_cast %add3A_216 : i32 to index
          %get3A_218 = tpu.vector_load %arg10[%get3A_217] {strides = array<i32>} : memref<1024xf32, #tpu.memory_space<vmem>>, vector<16xf32>,
          %bitcast3A_219 = vector.bitcast %get3A_218 : vector<16xf32> to vector<16xi32>
          %rev3A_220 = arith.constant 15 : i32
          %rev3A_221 = vector.broadcast %rev3A_220 : i32 to vector<16xi32>
          %rev3A_222 = tpu.iota {dimensions = array<i32: 0>} : vector<16xi32>
          %rev3A_223 = arith.subi %rev3A_221, %rev3A_222 : vector<16xi32>
          %rev3A_224 = tpu.dynamic_gather %get3A_205[%rev3A_223] in [0] : vector<16xf32>, vector<16xi32> -> vector<16xf32>
          %rev3A_225 = arith.constant 15 : i32
          %rev3A_226 = vector.broadcast %rev3A_225 : i32 to vector<16xi32>
          %rev3A_227 = tpu.iota {dimensions = array<i32: 0>} : vector<16xi32>
          %rev3A_228 = arith.subi %rev3A_226, %rev3A_227 : vector<16xi32>
          %rev3A_229 = tpu.dynamic_gather %bitcast3A_210[%rev3A_228] in [0] : vector<16xi32>, vector<16xi32> -> vector<16xi32>
          %gt3A = arith.cmpf ogt, %scan3A_196, %rev3A_224 : vector<16xf32>
          %eq3A_230 = arith.cmpf oeq, %scan3A_196, %rev3A_224 : vector<16xf32>
          %lt3A = arith.cmpi slt, %scan3A_197, %rev3A_229 : vector<16xi32>
          %and3A_231 = arith.andi %eq3A_230, %lt3A : vector<16xi1>
          %or3A_232 = arith.ori %gt3A, %and3A_231 : vector<16xi1>
          %select_n3A_233 = arith.select %or3A_232, %scan3A_196, %rev3A_224 : vector<16xi1>, vector<16xf32>
          %select_n3A_234 = arith.select %or3A_232, %scan3A_197, %rev3A_229 : vector<16xi1>, vector<16xi32>
          %masked_sort3A_235 = arith.constant dense<true> : vector<16xi1>
          %masked_sort3A_236, %masked_sort3A_237, %masked_sort3A_238 = tpu.sort %select_n3A_233, %select_n3A_234 masked %masked_sort3A_235 {descending = true} : (vector<16xf32>, vector<16xi32>, vector<16xi1>) -> (vector<16xi1>, vector<16xf32>, vector<16xi32>)
          %rev3A_239 = arith.constant 15 : i32
          %rev3A_240 = vector.broadcast %rev3A_239 : i32 to vector<16xi32>
          %rev3A_241 = tpu.iota {dimensions = array<i32: 0>} : vector<16xi32>
          %rev3A_242 = arith.subi %rev3A_240, %rev3A_241 : vector<16xi32>
          %rev3A_243 = tpu.dynamic_gather %get3A_214[%rev3A_242] in [0] : vector<16xf32>, vector<16xi32> -> vector<16xf32>
          %rev3A_244 = arith.constant 15 : i32
          %rev3A_245 = vector.broadcast %rev3A_244 : i32 to vector<16xi32>
          %rev3A_246 = tpu.iota {dimensions = array<i32: 0>} : vector<16xi32>
          %rev3A_247 = arith.subi %rev3A_245, %rev3A_246 : vector<16xi32>
          %rev3A_248 = tpu.dynamic_gather %bitcast3A_219[%rev3A_247] in [0] : vector<16xi32>, vector<16xi32> -> vector<16xi32>
          %lt3A_249 = arith.cmpf olt, %scan3A_198, %rev3A_243 : vector<16xf32>
          %eq3A_250 = arith.cmpf oeq, %scan3A_198, %rev3A_243 : vector<16xf32>
          %lt3A_251 = arith.cmpi slt, %scan3A_199, %rev3A_248 : vector<16xi32>
          %and3A_252 = arith.andi %eq3A_250, %lt3A_251 : vector<16xi1>
          %or3A_253 = arith.ori %lt3A_249, %and3A_252 : vector<16xi1>
          %select_n3A_254 = arith.select %or3A_253, %scan3A_198, %rev3A_243 : vector<16xi1>, vector<16xf32>
          %select_n3A_255 = arith.select %or3A_253, %scan3A_199, %rev3A_248 : vector<16xi1>, vector<16xi32>
          %masked_sort3A_256 = arith.constant dense<true> : vector<16xi1>
          %masked_sort3A_257, %masked_sort3A_258, %masked_sort3A_259 = tpu.sort %select_n3A_254, %select_n3A_255 masked %masked_sort3A_256 : (vector<16xf32>, vector<16xi32>, vector<16xi1>) -> (vector<16xi1>, vector<16xf32>, vector<16xi32>)
          scf.yield %masked_sort3A_237, %masked_sort3A_238, %masked_sort3A_258, %masked_sort3A_259 : vector<16xf32>, vector<16xi32>, vector<16xf32>, vector<16xi32>
        }
        %scan3A_172 = arith.constant 15 : i32
        %swap3A_173 = arith.constant 0 : index
        %swap3A_174 = tpu.vector_load %arg13[%swap3A_173] {strides = array<i32>} : memref<32xf32, #tpu.memory_space<vmem>>, vector<16xf32>,
        tpu.vector_store %arg13[%swap3A_173], %scan3A_171#0 {strides = array<i32>} : memref<32xf32, #tpu.memory_space<vmem>>, vector<16xf32>,
        %rev3A_175 = arith.constant 15 : i32
        %rev3A_176 = vector.broadcast %rev3A_175 : i32 to vector<16xi32>
        %rev3A_177 = tpu.iota {dimensions = array<i32: 0>} : vector<16xi32>
        %rev3A_178 = arith.subi %rev3A_176, %rev3A_177 : vector<16xi32>
        %rev3A_179 = tpu.dynamic_gather %scan3A_171#2[%rev3A_178] in [0] : vector<16xf32>, vector<16xi32> -> vector<16xf32>
        %swap3A_180 = arith.constant 16 : index
        %swap3A_181 = tpu.vector_load %arg13[%swap3A_180] {strides = array<i32>} : memref<32xf32, #tpu.memory_space<vmem>>, vector<16xf32>,
        tpu.vector_store %arg13[%swap3A_180], %rev3A_179 {strides = array<i32>} : memref<32xf32, #tpu.memory_space<vmem>>, vector<16xf32>,
        %swap3A_182 = arith.constant 0 : index
        %swap3A_183 = tpu.vector_load %arg12[%swap3A_182] {strides = array<i32>} : memref<32xi32, #tpu.memory_space<vmem>>, vector<16xi32>,
        tpu.vector_store %arg12[%swap3A_182], %scan3A_171#1 {strides = array<i32>} : memref<32xi32, #tpu.memory_space<vmem>>, vector<16xi32>,
        %rev3A_184 = arith.constant 15 : i32
        %rev3A_185 = vector.broadcast %rev3A_184 : i32 to vector<16xi32>
        %rev3A_186 = tpu.iota {dimensions = array<i32: 0>} : vector<16xi32>
        %rev3A_187 = arith.subi %rev3A_185, %rev3A_186 : vector<16xi32>
        %rev3A_188 = tpu.dynamic_gather %scan3A_171#3[%rev3A_187] in [0] : vector<16xi32>, vector<16xi32> -> vector<16xi32>
        %swap3A_189 = arith.constant 16 : index
        %swap3A_190 = tpu.vector_load %arg12[%swap3A_189] {strides = array<i32>} : memref<32xi32, #tpu.memory_space<vmem>>, vector<16xi32>,
        tpu.vector_store %arg12[%swap3A_189], %rev3A_188 {strides = array<i32>} : memref<32xi32, #tpu.memory_space<vmem>>, vector<16xi32>,
        %dma_start3A = arith.constant 0 : i32
        %dma_start3A_191 = arith.constant 0 : i32
        %dma_start3A_192 = tpu.memref_slice %arg3[%dma_start3A, %dma_start3A_191] : memref<100000x128xf32, #tpu.memory_space<hbm>> -> memref<100000x128xf32, #tpu.memory_space<hbm>>
        tpu.enqueue_indirect_dma source(%dma_start3A_192 : memref<100000x128xf32, #tpu.memory_space<hbm>>) target(%arg14 : memref<32x128xf32, #tpu.memory_space<vmem>>) offsets(%arg12 : memref<32xi32, #tpu.memory_space<vmem>>) semaphore(%arg15 : memref<!tpu.dma_semaphore, #tpu.memory_space<semaphore_mem>>)
        %dma_wait3A = arith.constant 0 : i32
        %dma_wait3A_193 = arith.constant 0 : i32
        %dma_wait3A_194 = tpu.memref_slice %arg3[%dma_wait3A, %dma_wait3A_193] : memref<100000x128xf32, #tpu.memory_space<hbm>> -> memref<100000x128xf32, #tpu.memory_space<hbm>>
        tpu.wait_indirect_dma semaphore(%arg15 : memref<!tpu.dma_semaphore, #tpu.memory_space<semaphore_mem>>) src(%dma_wait3A_194 : memref<100000x128xf32, #tpu.memory_space<hbm>>) dst(%arg14 : memref<32x128xf32, #tpu.memory_space<vmem>>)
        "tpu.region"() ({
          %run_scoped3A = tpu.sem_alloc : memref<!tpu.dma_semaphore, #tpu.memory_space<semaphore_mem>>
          tpu.enqueue_dma source(%arg13 : memref<32xf32, #tpu.memory_space<vmem>>) target(%arg4 : memref<32xf32, #tpu.memory_space<hbm>>) target_semaphore(%run_scoped3A : memref<!tpu.dma_semaphore, #tpu.memory_space<semaphore_mem>>)
          tpu.wait_dma2 semaphore(%run_scoped3A : memref<!tpu.dma_semaphore, #tpu.memory_space<semaphore_mem>>) src(%arg13 : memref<32xf32, #tpu.memory_space<vmem>>) dst(%arg4 : memref<32xf32, #tpu.memory_space<hbm>>)
          tpu.yield
        }) : () -> ()
        "tpu.region"() ({
          %run_scoped3A = tpu.sem_alloc : memref<!tpu.dma_semaphore, #tpu.memory_space<semaphore_mem>>
          tpu.enqueue_dma source(%arg14 : memref<32x128xf32, #tpu.memory_space<vmem>>) target(%arg5 : memref<32x128xf32, #tpu.memory_space<hbm>>) target_semaphore(%run_scoped3A : memref<!tpu.dma_semaphore, #tpu.memory_space<semaphore_mem>>)
          tpu.wait_dma2 semaphore(%run_scoped3A : memref<!tpu.dma_semaphore, #tpu.memory_space<semaphore_mem>>) src(%arg14 : memref<32x128xf32, #tpu.memory_space<vmem>>) dst(%arg5 : memref<32x128xf32, #tpu.memory_space<hbm>>)
          tpu.yield
        }) : () -> ()
      } else {
      }
    } else {
    }
    return
  }
}

</mosaic_0001>

<sc_bundles>
// kernel: kernel.3.cloned.1.call-start
scs
__scs_entry_jumppad:
0x0: {  	(pc) =	sbr.rel $0x88, $3  }
0x1: {  	(tag) =	ssettag $0x0;
	lr =	simm.s32 $0x1  }
0x2: {  	[smem:$0x3F9F] =	sst lr;
	_ =	strace $0xD0000000  }
0x3: {  	_ = 	snop  }
0x4: {  	_ = 	snop  }
0x5: {  	_ = 	snop  }
0x6: {  	_ = 	snop  }
0x7: {  	_ = 	snop  }
__scs_overlays_trampoline_lowered:
0x8: {  	[smem:$0x3FAE] =	sst s0  }
0x9: {  	[smem:$0x3FAF] =	sst s1  }
0xa: {  	[smem:$0x3FB0] =	sst s2  }
0xb: {  	[smem:$0x3FB1] =	sst s3  }
0xc: {  	[smem:$0x3FB2] =	sst s4  }
0xd: {  	[smem:$0x3FB3] =	sst s5  }
0xe: {  	[smem:$0x3FB4] =	sst s6  }
0xf: {  	[smem:$0x3FB5] =	sst s7  }
0x10: {  	[smem:$0x3FB6] =	sst s8  }
0x11: {  	[smem:$0x3FB7] =	sst s9;
	s0 =	simm.s32 @!p0 $0x0  }
0x12: {  	s1 =	sld [smem:$0x3F9D];
	s0 =	simm.s32 @p0 $0x1  }
0x13: {  	[smem:$0x3FB8] =	sst s0;
	s0 =	simm.s32 @!p1 $0x0  }
0x14: {  	s2 =	sld [smem:$0x3F9C];
	s0 =	simm.s32 @p1 $0x1  }
0x15: {  	[smem:$0x3FB9] =	sst s0;
	s0 =	simm.s32 @!p2 $0x0  }
0x16: {  	s3 =	sld [smem:$0x3FDB];
	s0 =	simm.s32 @p2 $0x1  }
0x17: {  	s4 =	simm.s32 $0x1BF5;
	[smem:$0x3FBB] =	sst s0  }
0x18: {  	s0 =	sld [smem:$0x3F9E];
	_ =	swait.ge [sflag:s4], $0x0  }
0x19: {  	s7 =	sld [smem:$0x3F9F]  }
0x1a: {  	s8 =	sadd.s32 $0xFFFFE003, lr  }
0x1b: {  	s9 =	sadd.s32 $0xFFFFFEF7, lr;
	s5 =	simm.s32 $0xFFFFFFFF;
	p2 =	slt.u32 s8, $0xFFFFF086  }
0x1c: {  	p1 =	slt.u32 s9, $0xF7A;
	s5 =	simm.s32 @!p2 $0x0  }
0x1d: {  	s5 =	simm.s32 @p1 $0x1;
	p0 =	seq.s32 s7, s2  }
0x1e: {  	s7 =	smul.u32 @!p0 $0xF7A, s2;
	p2 =	seq.s32 @!p0 s5, $0x0  }
0x1f: {  	s9 =	smul.u32 $0xF7A, s1;
	s8 =	simm.s32 @!p0 $0x1BF5;
	p2 =	por !p2, p0  }
0x20: {  	[sflag:s8] =	ssyncset.s32 @!p0 $0xFFFFF086;
	s6 =	sadd.s32 @!p0 s3, s7;
	s7 =	simm.s32 @!p0 $0x108  }
0x21: {  	s3 =	sadd.s32 s3, s9;
	s6 =	sadd.s32 @!p0 $0x88, s6;
	s7 =	simm.s32 @p2 $0x1082  }
0x22: {  	[simem:s7], [sflag:s8] =	dma.local @!p0 [hbm:s6], $0xF7A  }
0x23: {  	s9 =	sor.u32 $0xD0000000, s2;
	s6 =	simm.s32 $0x108;
	_ =	swait.ge @!p0 [sflag:s8], $0x0  }
0x24: {  	s3 =	sadd.s32 $0x88, s3;
	s6 =	simm.s32 @!p1 $0x1082;
	[sflag:s4] =	ssyncset.s32 $0xFFFFF086  }
0x25: {  	[simem:s6], [sflag:s4] =	dma.local [hbm:s3], $0xF7A  }
0x26: {  	[smem:$0x3F9F] =	sst s1;
	(tag) =	ssettag s2;
	_ =	strace s9  }
0x27: {  	s1 =	sld [smem:$0x3FAF]  }
0x28: {  	s2 =	sld [smem:$0x3FB0]  }
0x29: {  	s4 =	sld [smem:$0x3FB2]  }
0x2a: {  	p0 =	seq.s32 s5, $0x0;
	s5 =	sld [smem:$0x3FB3]  }
0x2b: {  	s6 =	sld [smem:$0x3FB4]  }
0x2c: {  	s7 =	sld [smem:$0x3FB5]  }
0x2d: {  	s3 =	simm.s32 $0x108;
	s8 =	sld [smem:$0x3FB6]  }
0x2e: {  	s3 =	simm.s32 @!p0 $0x1082;
	s9 =	sld [smem:$0x3FB7]  }
0x2f: {  	lr =	sadd.s32 s0, s3;
	s0 =	sld [smem:$0x3FAE]  }
0x30: {  	s3 =	sld [smem:$0x3FB1]  }
0x31: {  	[smem:$0x3FBA] =	sst s10  }
0x32: {  	s10 =	sld [smem:$0x3FB8];
	_ =	sdelay $0x3  }
0x33: {  	p0 =	seq.s32 s10, $0x1;
	s10 =	sld [smem:$0x3FBA];
	_ =	sdelay $0x3  }
0x34: {  	[smem:$0x3FBA] =	sst s10  }
0x35: {  	s10 =	sld [smem:$0x3FB9];
	_ =	sdelay $0x3  }
0x36: {  	p1 =	seq.s32 s10, $0x1;
	s10 =	sld [smem:$0x3FBA];
	_ =	sdelay $0x3  }
0x37: {  	[smem:$0x3FBA] =	sst s10  }
0x38: {  	s10 =	sld [smem:$0x3FBB]  }
0x39: {  	_ = 	snop;
	(pc) =	sbr.ind lr, $3  }
0x3a: {  	_ = 	snop  }
0x3b: {  	_ = 	snop  }
0x3c: {  	p2 =	seq.s32 s10, $0x1;
	s10 =	sld [smem:$0x3FBA]  }
0x3d: {  	_ =	shalt  }
0x3e: {  	_ =	shalt  }
0x3f: {  	_ =	shalt  }
0x40: {  	_ =	shalt  }
0x41: {  	_ =	shalt  }
0x42: {  	_ =	shalt  }
0x43: {  	_ =	shalt  }
0x44: {  	_ =	shalt  }
0x45: {  	_ =	shalt  }
0x46: {  	_ =	shalt  }
0x47: {  	_ =	shalt  }
0x48: {  	_ =	shalt  }
0x49: {  	_ =	shalt  }
0x4a: {  	_ =	shalt  }
0x4b: {  	_ =	shalt  }
0x4c: {  	_ =	shalt  }
0x4d: {  	_ =	shalt  }
0x4e: {  	_ =	shalt  }
0x4f: {  	_ =	shalt  }
0x50: {  	_ =	shalt  }
0x51: {  	_ =	shalt  }
0x52: {  	_ =	shalt  }
0x53: {  	_ =	shalt  }
0x54: {  	_ =	shalt  }
0x55: {  	_ =	shalt  }
0x56: {  	_ =	shalt  }
0x57: {  	_ =	shalt  }
0x58: {  	_ =	shalt  }
0x59: {  	_ =	shalt  }
0x5a: {  	_ =	shalt  }
0x5b: {  	_ =	shalt  }
0x5c: {  	_ =	shalt  }
0x5d: {  	_ =	shalt  }
0x5e: {  	_ =	shalt  }
0x5f: {  	_ =	shalt  }
0x60: {  	_ =	shalt  }
0x61: {  	_ =	shalt  }
0x62: {  	_ =	shalt  }
0x63: {  	_ =	shalt  }
0x64: {  	_ =	shalt  }
0x65: {  	_ =	shalt  }
0x66: {  	_ =	shalt  }
0x67: {  	_ =	shalt  }
0x68: {  	_ =	shalt  }
0x69: {  	_ =	shalt  }
0x6a: {  	_ =	shalt  }
0x6b: {  	_ =	shalt  }
0x6c: {  	_ =	shalt  }
0x6d: {  	_ =	shalt  }
0x6e: {  	_ =	shalt  }
0x6f: {  	_ =	shalt  }
0x70: {  	_ =	shalt  }
0x71: {  	_ =	shalt  }
0x72: {  	_ =	shalt  }
0x73: {  	_ =	shalt  }
0x74: {  	_ =	shalt  }
0x75: {  	_ =	shalt  }
0x76: {  	_ =	shalt  }
0x77: {  	_ =	shalt  }
0x78: {  	_ =	shalt  }
0x79: {  	_ =	shalt  }
0x7a: {  	_ =	shalt  }
0x7b: {  	_ =	shalt  }
0x7c: {  	_ =	shalt  }
0x7d: {  	_ =	shalt  }
0x7e: {  	_ =	shalt  }
0x7f: {  	_ =	shalt  }
0x80: {  	_ =	shalt  }
0x81: {  	_ =	shalt  }
0x82: {  	_ =	shalt  }
0x83: {  	_ =	shalt  }
0x84: {  	_ =	shalt  }
0x85: {  	_ =	shalt  }
0x86: {  	_ =	shalt  }
0x87: {  	_ =	shalt  }
.Lfunc_end0:
.L_simem_size_0:
called_computation_lowered:
.L_overlay_start_0:
0x88: {  	s0 =	sld [smem:$0x3FD9]  }
0x89: {  	s1 =	sld [smem:$0x3FFE];
	_ =	sdelay $0x3  }
0x8a: {  	s0 =	sadd.s32 s1, s0  }
0x8b: {  	[smem:$0x3FC6] =	sst s0  }
0x8c: {  	_ = 	snop  }
0x8d: {  	s0 =	sld [smem:$0x3FD0];
	_ =	sdelay $0x2  }
0x8e: {  	s2 =	simm.s32 $0xA;
	s3 =	simm.s32 $0x10;
	s13 =	sld [smem:$0x3FC9]  }
0x8f: {  	[smem:s3], [sflag:s2] =	dma.local [hbm:s0], $0x1  }
0x90: {  	_ =	swait.eq [sflag:s2], $0x1  }
0x91: {  	[sflag:s2] =	ssyncset.done $0x0  }
0x92: {  	s14 =	sld [smem:$0x10];
	[sflag:s2] =	ssyncadd.s32 $0xFFFFFFFF  }
0x93: {  	s15 =	sld [smem:$0x11];
	(tm) =	ssettm $0x1  }
0x94: {  	s16 =	sld [smem:$0x3FFB];
	_ =	sdelay $0x3  }
0x95: {  	_ =	strace s16  }
0x96: {  	s3 =	sld [smem:$0x3FFC];
	_ =	sdelay $0x3  }
0x97: {  	_ =	strace s3  }
0x98: {  	s3 =	sld [smem:$0x3FFD];
	_ =	sdelay $0x3  }
0x99: {  	_ =	strace s3  }
0x9a: {  	_ =	strace $0x8FFFFFFF  }
0x9b: {  	s17 =	sld [smem:$0x3FDB];
	_ =	sdelay $0x1  }
0x9c: {  	s4 =	simm.s32 $_scs_section_size  }
0x9d: {  	s5 =	simm.s32 $_size__tile_overlayer_lowered;
	s6 =	simm.s32 $_tile_overlayer_lowered  }
0x9e: {  	s20 =	simm.s32 $0x1BFF;
	s19 =	sshll.u32 s6, $0x1;
	s3 =	sadd.s32 s4, s17  }
0x9f: {  	s7 =	simm.s32 $0x0;
	s18 =	sshll.u32 s5, $0x1;
	s5 =	sadd.s32 s19, s3  }
0xa0: {  	[timem:s7], [sflag:s20] =	dma.local [hbm:s5], s18  }
0xa1: {  	_ =	swait.ge [sflag:s20], s18  }
0xa2: {  	s4 =	ssub.s32 $0x0, s18;
	[sflag:s20] =	ssyncset.done $0x0  }
0xa3: {  	[sflag:s20] =	ssyncadd.s32 s4;
	_ =	sdelay $0x1  }
0xa4: {  	s21 =	simm.s32 $0x1B8B  }
0xa5: {  	_ =	swait.ge [sflag:s21], $0x1  }
0xa6: {  	[sflag:s21] =	ssyncset.done $0x0  }
0xa7: {  	s23 =	simm.s32 $0x1B8E;
	s22 =	sld [smem:$0x3FFE];
	[sflag:s21] =	ssyncadd.s32 $0xFFFFFFFF  }
0xa8: {  	s24 =	simm.s32 $execute0_lowered;
	[smem:$0x3FD2] =	sst s23  }
0xa9: {  	s5 =	sshll.u32 s24, $0x1;
	_ =	strace $0x80000046;
	[dreg:$0x1] =	wrdreg $0xFFFFFFFF  }
0xaa: {  	s25 =	simm.s32 $_size_execute0_lowered;
	s3 =	sadd.s32 s3, s5;
	[dreg:$0x0] =	wrdreg $0x0  }
0xab: {  	s5 =	sshll.u32 s25, $0x1;
	[dreg:$0x2] =	wrdreg s3  }
0xac: {  	[dreg:$0x3] =	wrdreg s5  }
0xad: {  	[dreg:$0x4] =	wrdreg $0xC0  }
0xae: {  	_ =	task [dreg:s7], $0x5FFFF  }
0xaf: {  	[dreg:$0x1] =	wrdreg $0xFFFFFFFF  }
0xb0: {  	[dreg:$0x0] =	wrdreg $0x60  }
0xb1: {  	[dreg:$0x2] =	wrdreg s22  }
0xb2: {  	[dreg:$0x3] =	wrdreg s13  }
0xb3: {  	[dreg:$0x4] =	wrdreg s14  }
0xb4: {  	[dreg:$0x5] =	wrdreg s15  }
0xb5: {  	[dreg:$0x6] =	wrdreg $0x4F000  }
0xb6: {  	[dreg:$0x7] =	wrdreg $0x9  }
0xb7: {  	_ =	task.clear_ibuf [dreg:s7], $0x8FFFF;
	_ =	strace $0x90000046  }
0xb8: {  	s26 =	simm.s32 $0x9;
	_ =	strace $0x80000048  }
0xb9: {  	_ =	swait.ge [sflag:s26], $0x1  }
0xba: {  	[sflag:s26] =	ssyncadd.s32 $0xFFFFFFFF  }
0xbb: {  	_ =	strace $0x90000048  }
0xbc: {  	_ =	sfence  }
0xbd: {  	s28 =	sld [smem:$0x0];
	_ =	sdelay $0x1  }
0xbe: {  	s29 =	srdreg.scid  }
0xbf: {  	s30 =	sshll.u32 s29, $0xD;
	s31 =	sshrl.u32 s29, $0x2  }
0xc0: {  	s1 =	sand.u32 $0x1, s29;
	s2 =	sand.u32 $0x4000, s30;
	s0 =	sadd.s32 s31, s28  }
0xc1: {  	s1 =	sor.u32 s2, s1;
	s0 =	sshll.u32 s0, $0x11  }
0xc2: {  	s0 =	sor.u32 s0, s1  }
0xc3: {  	s0 =	sadd.s32 $0x8F2B, s0  }
0xc4: {  	[sflag:s0] =	ssyncadd.remote.s32 $0x1  }
0xc5: {  	_ =	sfence.sel $0xFFFF  }
0xc6: {  	[dreg:$0x0] =	wrdreg $0xFFFFFFFF;
	(pc) =	sbr.abs _section_cstart, $3  }
0xc7: {  	[dreg:$0x1] =	wrdreg $0xFFFFFFFF  }
0xc8: {  	_ =	task.clear_ibuf [dreg:s7], $0x2FFFF;
	_ =	strace $0x9FFFFFFF  }
0xc9: {  	(tm) =	ssettm $0x7FFFFFFF  }
tec
execute0_lowered:
.L_overlay_start_1:
0x0: {  	(tag) =	ssettag $0x1  }
0x1: {  	s6 =	rddreg [dreg:$0x0]  }
0x2: {  	s3 =	rddreg [dreg:$0x1]  }
0x3: {  	s2 =	rddreg [dreg:$0x2]  }
0x4: {  	s1 =	rddreg [dreg:$0x3];
	s5 =	stileid.u32  }
0x5: {  	s4 =	rddreg [dreg:$0x4];
	s8 =	smul.u32 $0x1880, s5  }
0x6: {  	s0 =	rddreg [dreg:$0x5];
	s7 =	simm.s32 $0x0;
	s30 =	simm.s32 $0x2  }
0x7: {  	[smem:$0x7FF] =	sst s7;
	s6 =	sadd.s32 $0x400, s6;
	s9 =	sshrl.u32 s8, $0x3  }
0x8: {  	p0 =	seq.s32 s5, $0xF;
	_ =	strace $0x80000047;
	s9 =	sadd.s32 s6, s9  }
0x9: {  	[tilespmem:s7], [sflag:$0x2] =	stream.linear.gather [hbm4b:s9+s7], $0x1720, $0x38;
	[tilespmem:$0x6040] =	vst v63  }
0xa: {  	s9 =	sshrl.u32 @!p0 s8, $0x3;
	_ =	swait.ge [sflag:s30], $0x1720  }
0xb: {  	s7 =	simm.s32 @!p0 $0x0;
	s6 =	sadd.s32 @!p0 s6, s9;
	[sflag:s30] =	ssyncset.done $0x0  }
0xc: {  	s9 =	simm.s32 @!p0 $0x1720;
	s6 =	sadd.s32 @!p0 $0x2E4, s6;
	[sflag:s30] =	ssyncadd.s32 $0xFFFFE8E0  }
0xd: {  	[tilespmem:s9], [sflag:$0x2] =	stream.linear.gather @!p0 [hbm4b:s6+s7], $0x160, $0x38;
	[tilespmem:$0x6040] =	vst v63  }
0xe: {  	s9 =	simm.s32 @!p0 $0x2  }
0xf: {  	_ =	swait.ge @!p0 [sflag:s9], $0x160  }
0x10: {  	[sflag:s9] =	ssyncset.done @!p0 $0x0  }
0x11: {  	s11 =	simm.s32 $0x100;
	[sflag:s9] =	ssyncadd.s32 @!p0 $0xFFFFFEA0  }
0x12: {  	v2 =	vld [tilespmem:s11+$0xFFFFFF00]  }
0x13: {  	v3 =	vld [tilespmem:s11+$0xFFFFFF10]  }
0x14: {  	v4 =	vld [tilespmem:s11+$0xFFFFFF20]  }
0x15: {  	v5 =	vld [tilespmem:s11+$0xFFFFFF30]  }
0x16: {  	v1 =	vimm.f32 $-3.402823470e+38;
	v0 =	vimm.f32 $3.402823470e+38;
	v6 =	vld [tilespmem:s11+$0xFFFFFF40]  }
0x17: {  	v1 =	vmax.f32 v1, v2;
	v0 =	vmin.f32 v0, v2;
	v2 =	vld [tilespmem:s11+$0xFFFFFF50]  }
0x18: {  	v1 =	vmax.f32 v1, v3;
	v0 =	vmin.f32 v0, v3;
	v3 =	vld [tilespmem:s11+$0xFFFFFF60]  }
0x19: {  	v1 =	vmax.f32 v1, v4;
	v0 =	vmin.f32 v0, v4;
	v4 =	vld [tilespmem:s11+$0xFFFFFF70]  }
0x1a: {  	v1 =	vmax.f32 v1, v5;
	v0 =	vmin.f32 v0, v5;
	v5 =	vld [tilespmem:s11+$0xFFFFFF80]  }
0x1b: {  	v1 =	vmax.f32 v1, v6;
	v0 =	vmin.f32 v0, v6;
	v6 =	vld [tilespmem:s11+$0xFFFFFF90]  }
0x1c: {  	v1 =	vmax.f32 v1, v2;
	v0 =	vmin.f32 v0, v2;
	v2 =	vld [tilespmem:s11+$0xFFFFFFA0]  }
0x1d: {  	v1 =	vmax.f32 v1, v3;
	v0 =	vmin.f32 v0, v3;
	v3 =	vld [tilespmem:s11+$0xFFFFFFB0]  }
0x1e: {  	v1 =	vmax.f32 v1, v4;
	v0 =	vmin.f32 v0, v4;
	v4 =	vld [tilespmem:s11+$0xFFFFFFC0]  }
0x1f: {  	v1 =	vmax.f32 v1, v5;
	v0 =	vmin.f32 v0, v5;
	v5 =	vld [tilespmem:s11+$0xFFFFFFD0]  }
0x20: {  	v1 =	vmax.f32 v1, v6;
	v0 =	vmin.f32 v0, v6;
	v6 =	vld [tilespmem:s11+$0xFFFFFFE0]  }
0x21: {  	v1 =	vmax.f32 v1, v2;
	v0 =	vmin.f32 v0, v2;
	v2 =	vld [tilespmem:s11+$0xFFFFFFF0]  }
0x22: {  	v1 =	vmax.f32 v1, v3;
	v0 =	vmin.f32 v0, v3;
	v3 =	vld [tilespmem:s11+$0x0]  }
0x23: {  	v1 =	vmax.f32 v1, v4;
	v0 =	vmin.f32 v0, v4;
	v4 =	vld [tilespmem:s11+$0x10]  }
0x24: {  	v1 =	vmax.f32 v1, v5;
	v0 =	vmin.f32 v0, v5;
	v5 =	vld [tilespmem:s11+$0x20]  }
0x25: {  	v1 =	vmax.f32 v1, v6;
	v0 =	vmin.f32 v0, v6;
	v6 =	vld [tilespmem:s11+$0x30]  }
0x26: {  	v1 =	vmax.f32 v1, v2;
	v0 =	vmin.f32 v0, v2;
	v2 =	vld [tilespmem:s11+$0x40]  }
0x27: {  	v1 =	vmax.f32 v1, v3;
	v0 =	vmin.f32 v0, v3;
	v3 =	vld [tilespmem:s11+$0x50]  }
0x28: {  	v1 =	vmax.f32 v1, v4;
	v0 =	vmin.f32 v0, v4;
	v4 =	vld [tilespmem:s11+$0x60]  }
0x29: {  	s7 =	simm.s32 @!p0 $0xC4;
	v1 =	vmax.f32 v1, v5;
	v0 =	vmin.f32 v0, v5;
	v5 =	vld [tilespmem:s11+$0x70]  }
0x2a: {  	s7 =	simm.s32 @p0 $0xB9;
	v1 =	vmax.f32 v1, v6;
	v0 =	vmin.f32 v0, v6;
	v6 =	vld [tilespmem:s11+$0x80]  }
0x2b: {  	s9 =	sand.u32 $0xF0, s7;
	v7 =	vld [tilespmem:s11+$0x90];
	v1 =	vmax.f32 v1, v2;
	v0 =	vmin.f32 v0, v2  }
0x2c: {  	v8 =	vld [tilespmem:s11+$0xA0];
	p0 =	sgt.u32 s9, $0x10;
	v1 =	vmax.f32 v1, v3;
	v0 =	vmin.f32 v0, v3  }
.Ltmp0:
0x2d: {  	v1 =	vmax.f32 v1, v4;
	v2 =	vmin.f32 v0, v4;
	v0 =	vld [tilespmem:s11+$0xB0];
	(pc) =	sbr.rel @!p0 .LBB2_2-.Ltmp0, $4  }
0x2e: {  	v3 =	vmax.f32 v1, v5;
	v2 =	vmin.f32 v2, v5;
	v1 =	vld [tilespmem:s11+$0xC0]  }
0x2f: {  	v3 =	vmax.f32 v3, v6;
	v4 =	vmin.f32 v2, v6;
	v2 =	vld [tilespmem:s11+$0xD0]  }
0x30: {  	s31 =	sshll.u32 s5, $0x6;
	v5 =	vmax.f32 v3, v7;
	v4 =	vmin.f32 v4, v7;
	v3 =	vld [tilespmem:s11+$0xE0]  }
0x31: {  	s10 =	simm.s32 $0x10;
	s6 =	sadd.s32 s31, s4;
	v5 =	vmax.f32 v5, v8;
	v6 =	vmin.f32 v4, v8;
	v4 =	vld [tilespmem:s11+$0xF0];
	s11 =	simm.s32 $0x300  }
.LBB2_1:
0x32: {  	v7 =	vld [tilespmem:s11+$0xFFFFFF00];
	s10 =	sadd.s32 $0x10, s10;
	v5 =	vmax.f32 v5, v0;
	v0 =	vmin.f32 v6, v0  }
0x33: {  	v6 =	vld [tilespmem:s11+$0xFFFFFF10];
	p0 =	slt.u32 s10, s9;
	v5 =	vmax.f32 v5, v1;
	v0 =	vmin.f32 v0, v1  }
0x34: {  	v1 =	vld [tilespmem:s11+$0xFFFFFF20];
	v5 =	vmax.f32 v5, v2;
	v0 =	vmin.f32 v0, v2  }
0x35: {  	v2 =	vld [tilespmem:s11+$0xFFFFFF30];
	v5 =	vmax.f32 v5, v3;
	v0 =	vmin.f32 v0, v3  }
0x36: {  	v3 =	vld [tilespmem:s11+$0xFFFFFF40];
	v5 =	vmax.f32 v5, v4;
	v0 =	vmin.f32 v0, v4  }
0x37: {  	v4 =	vmax.f32 v5, v7;
	v0 =	vmin.f32 v0, v7;
	v5 =	vld [tilespmem:s11+$0xFFFFFF50]  }
0x38: {  	v4 =	vmax.f32 v4, v6;
	v0 =	vmin.f32 v0, v6;
	v6 =	vld [tilespmem:s11+$0xFFFFFF60]  }
0x39: {  	v4 =	vmax.f32 v4, v1;
	v0 =	vmin.f32 v0, v1;
	v1 =	vld [tilespmem:s11+$0xFFFFFF70]  }
0x3a: {  	v4 =	vmax.f32 v4, v2;
	v0 =	vmin.f32 v0, v2;
	v2 =	vld [tilespmem:s11+$0xFFFFFF80]  }
0x3b: {  	v4 =	vmax.f32 v4, v3;
	v0 =	vmin.f32 v0, v3;
	v3 =	vld [tilespmem:s11+$0xFFFFFF90]  }
0x3c: {  	v4 =	vmax.f32 v4, v5;
	v0 =	vmin.f32 v0, v5;
	v5 =	vld [tilespmem:s11+$0xFFFFFFA0]  }
0x3d: {  	v4 =	vmax.f32 v4, v6;
	v0 =	vmin.f32 v0, v6;
	v6 =	vld [tilespmem:s11+$0xFFFFFFB0]  }
0x3e: {  	v4 =	vmax.f32 v4, v1;
	v0 =	vmin.f32 v0, v1;
	v1 =	vld [tilespmem:s11+$0xFFFFFFC0]  }
0x3f: {  	v4 =	vmax.f32 v4, v2;
	v0 =	vmin.f32 v0, v2;
	v2 =	vld [tilespmem:s11+$0xFFFFFFD0]  }
0x40: {  	v4 =	vmax.f32 v4, v3;
	v0 =	vmin.f32 v0, v3;
	v3 =	vld [tilespmem:s11+$0xFFFFFFE0]  }
0x41: {  	v4 =	vmax.f32 v4, v5;
	v0 =	vmin.f32 v0, v5;
	v5 =	vld [tilespmem:s11+$0xFFFFFFF0]  }
0x42: {  	v4 =	vmax.f32 v4, v6;
	v0 =	vmin.f32 v0, v6;
	v6 =	vld [tilespmem:s11+$0x0]  }
0x43: {  	v4 =	vmax.f32 v4, v1;
	v0 =	vmin.f32 v0, v1;
	v1 =	vld [tilespmem:s11+$0x10]  }
0x44: {  	v4 =	vmax.f32 v4, v2;
	v0 =	vmin.f32 v0, v2;
	v2 =	vld [tilespmem:s11+$0x20]  }
0x45: {  	v4 =	vmax.f32 v4, v3;
	v0 =	vmin.f32 v0, v3;
	v3 =	vld [tilespmem:s11+$0x30]  }
0x46: {  	v4 =	vmax.f32 v4, v5;
	v0 =	vmin.f32 v0, v5;
	v5 =	vld [tilespmem:s11+$0x40]  }
0x47: {  	v4 =	vmax.f32 v4, v6;
	v0 =	vmin.f32 v0, v6;
	v6 =	vld [tilespmem:s11+$0x50]  }
0x48: {  	v4 =	vmax.f32 v4, v1;
	v0 =	vmin.f32 v0, v1;
	v1 =	vld [tilespmem:s11+$0x60]  }
0x49: {  	v4 =	vmax.f32 v4, v2;
	v0 =	vmin.f32 v0, v2;
	v2 =	vld [tilespmem:s11+$0x70]  }
0x4a: {  	v4 =	vmax.f32 v4, v3;
	v0 =	vmin.f32 v0, v3;
	v3 =	vld [tilespmem:s11+$0x80]  }
0x4b: {  	v4 =	vmax.f32 v4, v5;
	v0 =	vmin.f32 v0, v5;
	v5 =	vld [tilespmem:s11+$0x90]  }
0x4c: {  	v4 =	vmax.f32 v4, v6;
	v0 =	vmin.f32 v0, v6;
	v6 =	vld [tilespmem:s11+$0xA0]  }
.Ltmp1:
0x4d: {  	v4 =	vmax.f32 v4, v1;
	v1 =	vmin.f32 v0, v1;
	v0 =	vld [tilespmem:s11+$0xB0];
	(pc) =	sbr.rel @p0 .LBB2_1-.Ltmp1, $4  }
0x4e: {  	v4 =	vmax.f32 v4, v2;
	v2 =	vmin.f32 v1, v2;
	v1 =	vld [tilespmem:s11+$0xC0]  }
0x4f: {  	v4 =	vmax.f32 v4, v3;
	v3 =	vmin.f32 v2, v3;
	v2 =	vld [tilespmem:s11+$0xD0]  }
0x50: {  	v4 =	vmax.f32 v4, v5;
	v7 =	vmin.f32 v3, v5;
	v3 =	vld [tilespmem:s11+$0xE0]  }
0x51: {  	v5 =	vmax.f32 v4, v6;
	v6 =	vmin.f32 v7, v6;
	v4 =	vld [tilespmem:s11+$0xF0];
	s11 =	sadd.s32 $0x200, s11  }
.LBB2_2:
0x52: {  	p0 =	seq.s32 s9, s7  }
.Ltmp2:
0x53: {  	v5 =	vmax.f32 v5, v0;
	v0 =	vmin.f32 v6, v0;
	(pc) =	sbr.rel @p0 .LBB2_5-.Ltmp2, $4  }
0x54: {  	v5 =	vmax.f32 v5, v1;
	v0 =	vmin.f32 v0, v1  }
0x55: {  	v1 =	vmax.f32 v5, v2;
	v0 =	vmin.f32 v0, v2  }
0x56: {  	v1 =	vmax.f32 v1, v3;
	v2 =	vmin.f32 v0, v3  }
0x57: {  	v0 =	vmax.f32 v1, v4;
	v1 =	vmin.f32 v2, v4  }
0x58: {  	s10 =	sshll.u32 s7, $0x5  }
0x59: {  	s10 =	sand.u32 $0x1E00, s10  }
0x5a: {  	s10 =	sor.u32 $0x10, s10  }
.LBB2_4:
0x5b: {  	v2 =	vld [tilespmem:s10+$0xFFFFFFF0];
	s9 =	sadd.s32 $0x1, s9  }
0x5c: {  	v3 =	vld [tilespmem:s10+$0x0];
	p0 =	slt.u32 s9, s7  }
.Ltmp3:
0x5d: {  	_ = 	snop;
	(pc) =	sbr.rel @p0 .LBB2_4-.Ltmp3, $3  }
0x5e: {  	_ =	sdelay $0x1  }
0x5f: {  	v0 =	vmax.f32 v0, v2;
	v1 =	vmin.f32 v1, v2  }
0x60: {  	s10 =	sadd.s32 $0x20, s10;
	v0 =	vmax.f32 v0, v3;
	v1 =	vmin.f32 v1, v3  }
.LBB2_5:
0x61: {  	(xrf0) =	vmin.scan.msk.f32 $0xffff, v0  }
0x62: {  	(xrf0) =	vmax.scan.msk.f32 $0xffff, v1;
	_ =	sdelay $0x2  }
0x63: {  	s17 =	simm.s32 $0x80  }
0x64: {  	v6 =	vld [tilespmem:s17+$0xFFFFFF80]  }
0x65: {  	v2, _, _ =	vpop (xrf0)  }
0x66: {  	v3, _, _ =	vpop (xrf0)  }
0x67: {  	v2 =	vbroadcast v2, $0xF;
	v3 =	vbroadcast v3, $0xF;
	_ =	sdelay $0x1  }
0x68: {  	vm0 =	vge.f32 v6, v2;
	vm1 =	vle.f32 v6, v3  }
0x69: {  	v5 =	vimm.s32 $0x0;
	vm1 =	vmor vm0, vm1  }
0x6a: {  	v7 =	vsel vm1, $0x1, v5  }
0x6b: {  	(xrf0) =	vadd.scan.msk.s32 $0xffff, v7;
	_ =	sdelay $0x5  }
0x6c: {  	v7, _, _ =	vpop (xrf0)  }
0x6d: {  	v9 =	vld [tilespmem:s17+$0xFFFFFFA0];
	v7 =	vadd.s32 v7, v5  }
0x6e: {  	v7 =	vadd.s32 $0xFFFFFFFF, v7  }
0x6f: {  	s9 =	sand.u32 $0xF8, s7  }
0x70: {  	p1 =	sgt.u32 s9, $0x8  }
.Ltmp4:
0x71: {  	s14 =	sadd.s32 $0xF0, s8;
	(pc) =	sbr.rel @!p1 .LBB2_6-.Ltmp4, $4  }
0x72: {  	v4 =	vlaneseq.u32;
	s11 =	simm.s32 $0x1880;
	s12 =	sadd.s32 $0xFFFFFF10, s14;
	vm2 =	vle.f32 v9, v3;
	vm0 =	vge.f32 v9, v2  }
0x73: {  	s10 =	simm.s32 $0x3180;
	vm2 =	vmor vm0, vm2;
	[tilespmem:v7+s11+$0x0] =	vst.idx.msk vm1, v6;
	v6 =	vor.u32 s12, v4  }
0x74: {  	[tilespmem:v7+s10+$0x0] =	vst.idx.msk vm1, v6;
	v7 =	vsel vm2, $0x1, v5  }
0x75: {  	p0 =	por $0x0, $0x0;
	v6 =	vld [tilespmem:s17+$0xFFFFFF90];
	(xrf0) =	vadd.scan.msk.s32 $0xffff, v7  }
0x76: {  	_ =	sdelay $0x3  }
0x77: {  	v7 =	vmpcnt.ones.xlane vm1;
	vm0 =	vge.f32 v6, v2;
	vm3 =	vle.f32 v6, v3  }
0x78: {  	vm0 =	vmor vm0, vm3  }
0x79: {  	v10 =	vmpcnt.ones.xlane vm0  }
0x7a: {  	v8 =	vadd.s32 v5, v7  }
0x7b: {  	v7, _, _ =	vpop (xrf0);
	v10 =	vadd.s32 v8, v10  }
0x7c: {  	v7 =	vadd.s32 v7, v10  }
0x7d: {  	v7 =	vadd.s32 $0xFFFFFFFF, v7;
	_ =	sdelay $0x1  }
0x7e: {  	v13 =	vld [tilespmem:s17+$0xFFFFFFC0];
	_ =	sdelay $0x1  }
0x7f: {  	s12 =	sadd.s32 $0xFFFFFF30, s14  }
0x80: {  	v11 =	vor.u32 s12, v4;
	[tilespmem:v7+s11+$0x0] =	vst.idx.msk vm2, v9  }
0x81: {  	[tilespmem:v7+s10+$0x0] =	vst.idx.msk vm2, v11  }
0x82: {  	vm1 =	vge.f32 v13, v2;
	vm3 =	vle.f32 v13, v3;
	v7 =	vld [tilespmem:s17+$0xFFFFFFB0]  }
0x83: {  	vm1 =	vmor vm1, vm3;
	v9 =	vsel vm0, $0x1, v5  }
0x84: {  	(xrf0) =	vadd.scan.msk.s32 $0xffff, v9;
	v9 =	vsel vm1, $0x1, v5  }
0x85: {  	(xrf0) =	vadd.scan.msk.s32 $0xffff, v9;
	_ =	sdelay $0x1  }
0x86: {  	v9 =	vmpcnt.ones.xlane vm2;
	vm3 =	vge.f32 v7, v2;
	vm4 =	vle.f32 v7, v3  }
0x87: {  	vm2 =	vmor vm3, vm4  }
0x88: {  	v14 =	vmpcnt.ones.xlane vm2  }
0x89: {  	v11 =	vadd.s32 v10, v9;
	v12, _, _ =	vpop (xrf0)  }
0x8a: {  	v9, _, _ =	vpop (xrf0);
	v10 =	vadd.s32 v11, v14  }
0x8b: {  	v9 =	vadd.s32 v9, v10  }
0x8c: {  	v9 =	vadd.s32 $0xFFFFFFFF, v9;
	_ =	sdelay $0x1  }
0x8d: {  	v30 =	vld [tilespmem:s17+$0xFFFFFFE0];
	_ =	sdelay $0x1  }
0x8e: {  	s16 =	sadd.s32 $0xFFFFFF50, s14  }
0x8f: {  	v15 =	vor.u32 s16, v4;
	[tilespmem:v9+s11+$0x0] =	vst.idx.msk vm1, v13  }
0x90: {  	[tilespmem:v9+s10+$0x0] =	vst.idx.msk vm1, v15  }
0x91: {  	vm15 =	vle.f32 v30, v3;
	vm3 =	vge.f32 v30, v2;
	v9 =	vld [tilespmem:s17+$0xFFFFFFD0]  }
0x92: {  	v31 =	vsel vm2, $0x1, v5;
	vm4 =	vmor vm3, vm15  }
0x93: {  	(xrf0) =	vadd.scan.msk.s32 $0xffff, v31;
	v32 =	vsel vm4, $0x1, v5  }
0x94: {  	(xrf0) =	vadd.scan.msk.s32 $0xffff, v32;
	_ =	sdelay $0x1  }
0x95: {  	vm3 =	vge.f32 v9, v2;
	vm5 =	vle.f32 v9, v3  }
0x96: {  	v33 =	vmpcnt.ones.xlane vm1;
	vm3 =	vmor vm3, vm5  }
0x97: {  	v34 =	vmpcnt.ones.xlane vm3  }
0x98: {  	v16, _, _ =	vpop (xrf0);
	v13 =	vadd.s32 v10, v33  }
0x99: {  	v10, _, _ =	vpop (xrf0);
	v15 =	vadd.s32 v13, v34  }
0x9a: {  	v10 =	vadd.s32 v10, v15  }
0x9b: {  	v10 =	vadd.s32 $0xFFFFFFFF, v10;
	_ =	sdelay $0x1  }
0x9c: {  	v17 =	vld [tilespmem:s17+$0x0];
	_ =	sdelay $0x1  }
0x9d: {  	s18 =	sadd.s32 $0xFFFFFF70, s14  }
0x9e: {  	v18 =	vor.u32 s18, v4;
	[tilespmem:v10+s11+$0x0] =	vst.idx.msk vm4, v30  }
0x9f: {  	[tilespmem:v10+s10+$0x0] =	vst.idx.msk vm4, v18  }
0xa0: {  	vm8 =	vle.f32 v17, v3;
	vm1 =	vge.f32 v17, v2;
	v10 =	vld [tilespmem:s17+$0xFFFFFFF0]  }
0xa1: {  	vm1 =	vmor vm1, vm8;
	v35 =	vsel vm3, $0x1, v5  }
0xa2: {  	v36 =	vsel vm1, $0x1, v5;
	(xrf0) =	vadd.scan.msk.s32 $0xffff, v35  }
0xa3: {  	(xrf0) =	vadd.scan.msk.s32 $0xffff, v36;
	_ =	sdelay $0x1  }
0xa4: {  	vm9 =	vge.f32 v10, v2;
	vm6 =	vle.f32 v10, v3  }
0xa5: {  	v37 =	vmpcnt.ones.xlane vm4;
	vm4 =	vmor vm9, vm6  }
0xa6: {  	v38 =	vmpcnt.ones.xlane vm4  }
0xa7: {  	v14 =	vadd.s32 v15, v37;
	v19, _, _ =	vpop (xrf0)  }
0xa8: {  	v39, _, _ =	vpop (xrf0);
	v15 =	vadd.s32 v14, v38  }
0xa9: {  	v18 =	vadd.s32 v39, v15  }
0xaa: {  	v18 =	vadd.s32 $0xFFFFFFFF, v18;
	_ =	sdelay $0x1  }
0xab: {  	v20 =	vld [tilespmem:s17+$0x20];
	_ =	sdelay $0x1  }
0xac: {  	s19 =	sadd.s32 $0xFFFFFF90, s14  }
0xad: {  	v21 =	vor.u32 s19, v4;
	[tilespmem:v18+s11+$0x0] =	vst.idx.msk vm1, v17  }
0xae: {  	[tilespmem:v18+s10+$0x0] =	vst.idx.msk vm1, v21  }
0xaf: {  	vm10 =	vge.f32 v20, v2;
	vm11 =	vle.f32 v20, v3;
	v17 =	vld [tilespmem:s17+$0x10]  }
0xb0: {  	vm6 =	vmor vm10, vm11;
	v40 =	vsel vm4, $0x1, v5  }
0xb1: {  	v41 =	vsel vm6, $0x1, v5;
	(xrf0) =	vadd.scan.msk.s32 $0xffff, v40  }
0xb2: {  	(xrf0) =	vadd.scan.msk.s32 $0xffff, v41;
	_ =	sdelay $0x1  }
0xb3: {  	vm12 =	vge.f32 v17, v2;
	vm7 =	vle.f32 v17, v3  }
0xb4: {  	v42 =	vmpcnt.ones.xlane vm1;
	vm5 =	vmor vm12, vm7  }
0xb5: {  	v43 =	vmpcnt.ones.xlane vm5  }
0xb6: {  	v15 =	vadd.s32 v15, v42;
	v22, _, _ =	vpop (xrf0)  }
0xb7: {  	v44, _, _ =	vpop (xrf0);
	v18 =	vadd.s32 v15, v43  }
0xb8: {  	v21 =	vadd.s32 v44, v18  }
0xb9: {  	v21 =	vadd.s32 $0xFFFFFFFF, v21;
	_ =	sdelay $0x1  }
0xba: {  	v23 =	vld [tilespmem:s17+$0x40];
	_ =	sdelay $0x1  }
0xbb: {  	s20 =	sadd.s32 $0xFFFFFFB0, s14  }
0xbc: {  	v24 =	vor.u32 s20, v4;
	[tilespmem:v21+s11+$0x0] =	vst.idx.msk vm6, v20  }
0xbd: {  	[tilespmem:v21+s10+$0x0] =	vst.idx.msk vm6, v24  }
0xbe: {  	vm13 =	vle.f32 v23, v3;
	vm1 =	vge.f32 v23, v2;
	v20 =	vld [tilespmem:s17+$0x30]  }
0xbf: {  	vm1 =	vmor vm1, vm13;
	v45 =	vsel vm5, $0x1, v5  }
0xc0: {  	v46 =	vsel vm1, $0x1, v5;
	(xrf0) =	vadd.scan.msk.s32 $0xffff, v45  }
0xc1: {  	(xrf0) =	vadd.scan.msk.s32 $0xffff, v46;
	_ =	sdelay $0x1  }
0xc2: {  	vm14 =	vge.f32 v20, v2;
	vm8 =	vle.f32 v20, v3  }
0xc3: {  	v47 =	vmpcnt.ones.xlane vm6;
	vm6 =	vmor vm14, vm8  }
0xc4: {  	v48 =	vmpcnt.ones.xlane vm6  }
0xc5: {  	v18 =	vadd.s32 v18, v47;
	v25, _, _ =	vpop (xrf0)  }
0xc6: {  	v49, _, _ =	vpop (xrf0);
	v21 =	vadd.s32 v18, v48  }
0xc7: {  	v24 =	vadd.s32 v49, v21  }
0xc8: {  	v24 =	vadd.s32 $0xFFFFFFFF, v24;
	_ =	sdelay $0x1  }
0xc9: {  	v26 =	vld [tilespmem:s17+$0x60];
	_ =	sdelay $0x1  }
0xca: {  	s21 =	sadd.s32 $0xFFFFFFD0, s14  }
0xcb: {  	v27 =	vor.u32 s21, v4;
	[tilespmem:v24+s11+$0x0] =	vst.idx.msk vm1, v23  }
0xcc: {  	[tilespmem:v24+s10+$0x0] =	vst.idx.msk vm1, v27  }
0xcd: {  	vm15 =	vge.f32 v26, v2;
	vm12 =	vle.f32 v26, v3;
	v23 =	vld [tilespmem:s17+$0x50]  }
0xce: {  	vm8 =	vmor vm15, vm12;
	v50 =	vsel vm6, $0x1, v5  }
0xcf: {  	v51 =	vsel vm8, $0x1, v5;
	(xrf0) =	vadd.scan.msk.s32 $0xffff, v50  }
0xd0: {  	(xrf0) =	vadd.scan.msk.s32 $0xffff, v51;
	_ =	sdelay $0x1  }
0xd1: {  	vm13 =	vge.f32 v23, v2;
	vm9 =	vle.f32 v23, v3  }
0xd2: {  	v52 =	vmpcnt.ones.xlane vm1;
	vm7 =	vmor vm13, vm9  }
0xd3: {  	v53 =	vmpcnt.ones.xlane vm7  }
0xd4: {  	v21 =	vadd.s32 v21, v52;
	v28, _, _ =	vpop (xrf0)  }
0xd5: {  	v54, _, _ =	vpop (xrf0);
	v24 =	vadd.s32 v21, v53  }
0xd6: {  	v27 =	vadd.s32 v54, v24  }
0xd7: {  	v27 =	vadd.s32 $0xFFFFFFFF, v27;
	_ =	sdelay $0x1  }
0xd8: {  	s15 =	simm.s32 $0x180  }
0xd9: {  	v29 =	vld [tilespmem:s15+$0xFFFFFF80]  }
0xda: {  	s22 =	sadd.s32 $0xFFFFFFF0, s14;
	v8 =	vadd.s32 v12, v8  }
0xdb: {  	v55 =	vor.u32 s22, v4;
	v8 =	vadd.s32 $0xFFFFFFFF, v8;
	[tilespmem:v27+s11+$0x0] =	vst.idx.msk vm8, v26  }
0xdc: {  	v11 =	vadd.s32 v16, v11;
	v13 =	vadd.s32 v19, v13;
	[tilespmem:v27+s10+$0x0] =	vst.idx.msk vm8, v55  }
0xdd: {  	v11 =	vadd.s32 $0xFFFFFFFF, v11;
	v13 =	vadd.s32 $0xFFFFFFFF, v13;
	v56 =	vld [tilespmem:s17+$0x70]  }
0xde: {  	vm14 =	vle.f32 v29, v3;
	vm1 =	vge.f32 v29, v2;
	v57 =	vsel vm7, $0x1, v5  }
0xdf: {  	s23 =	sadd.s32 $0xFFFFFF20, s14;
	vm1 =	vmor vm1, vm14;
	(xrf0) =	vadd.scan.msk.s32 $0xffff, v57  }
0xe0: {  	s26 =	sadd.s32 $0xFFFFFF80, s14;
	v58 =	vor.u32 s23, v4;
	[tilespmem:v8+s11+$0x0] =	vst.idx.msk vm0, v6;
	v14 =	vadd.s32 v22, v14;
	v6 =	vsel vm1, $0x1, v5  }
0xe1: {  	s24 =	sadd.s32 $0xFFFFFF40, s14;
	v61 =	vor.u32 s26, v4;
	[tilespmem:v8+s10+$0x0] =	vst.idx.msk vm0, v58;
	(xrf0) =	vadd.scan.msk.s32 $0xffff, v6;
	v6 =	vadd.s32 $0xFFFFFFFF, v14  }
0xe2: {  	s25 =	sadd.s32 $0xFFFFFF60, s14;
	[tilespmem:v11+s11+$0x0] =	vst.idx.msk vm2, v7;
	v7 =	vor.u32 s24, v4;
	vm15 =	vge.f32 v56, v2;
	vm10 =	vle.f32 v56, v3  }
0xe3: {  	[tilespmem:v13+s11+$0x0] =	vst.idx.msk vm3, v9;
	v9 =	vor.u32 s25, v4;
	v8 =	vadd.s32 v25, v15;
	vm0 =	vmor vm15, vm10  }
0xe4: {  	[tilespmem:v11+s10+$0x0] =	vst.idx.msk vm2, v7;
	v7 =	vadd.s32 $0xFFFFFFFF, v8;
	v8 =	vmpcnt.ones.xlane vm8;
	v59 =	vsel vm0, $0x1, v5  }
0xe5: {  	[tilespmem:v13+s10+$0x0] =	vst.idx.msk vm3, v9;
	v11 =	vadd.s32 v28, v18;
	v60, _, _ =	vpop (xrf0);
	v9 =	vmpcnt.ones.xlane vm0;
	(xrf0) =	vadd.scan.msk.s32 $0xffff, v59  }
0xe6: {  	v11 =	vadd.s32 $0xFFFFFFFF, v11;
	v8 =	vadd.s32 v24, v8;
	[tilespmem:v6+s11+$0x0] =	vst.idx.msk vm4, v10;
	v10 =	vadd.s32 v60, v21  }
0xe7: {  	[tilespmem:v6+s10+$0x0] =	vst.idx.msk vm4, v61;
	v62, _, _ =	vpop (xrf0);
	v6 =	vadd.s32 $0xFFFFFFFF, v10;
	v10 =	vadd.s32 v8, v9  }
0xe8: {  	s28 =	sadd.s32 $0xFFFFFFA0, s14;
	v13 =	vadd.s32 v62, v10  }
0xe9: {  	v63 =	vor.u32 s28, v4;
	[tilespmem:v7+s11+$0x0] =	vst.idx.msk vm5, v17;
	v13 =	vadd.s32 $0xFFFFFFFF, v13  }
0xea: {  	[tilespmem:v7+s10+$0x0] =	vst.idx.msk vm5, v63  }
0xeb: {  	s29 =	sadd.s32 $0xFFFFFFC0, s14;
	[tilespmem:v11+s11+$0x0] =	vst.idx.msk vm6, v20;
	v7, _, _ =	vpop (xrf0)  }
0xec: {  	[tilespmem:v6+s11+$0x0] =	vst.idx.msk vm7, v23;
	v9 =	vld [tilespmem:s15+$0xFFFFFFA0];
	v7 =	vadd.s32 v7, v8;
	v8 =	vor.u32 s29, v4  }
0xed: {  	s30 =	sadd.s32 $0xFFFFFFE0, s14;
	s16 =	sadd.s32 $0x100, s14;
	[tilespmem:v11+s10+$0x0] =	vst.idx.msk vm6, v8  }
0xee: {  	s31 =	sadd.s32 $0xFFFFFF10, s16;
	v8 =	vor.u32 s30, v4;
	[tilespmem:v13+s11+$0x0] =	vst.idx.msk vm1, v29  }
0xef: {  	p1 =	sgt.u32 s9, $0x10;
	v7 =	vadd.s32 $0xFFFFFFFF, v7;
	[tilespmem:v6+s10+$0x0] =	vst.idx.msk vm7, v8;
	v6 =	vor.u32 s31, v4  }
.Ltmp5:
0xf0: {  	[tilespmem:v13+s10+$0x0] =	vst.idx.msk vm1, v6;
	(pc) =	sbr.rel @!p1 .LBB2_28-.Ltmp5, $4  }
0xf1: {  	vm2 =	vge.f32 v9, v2;
	vm3 =	vle.f32 v9, v3;
	v6 =	vld [tilespmem:s15+$0xFFFFFF90]  }
0xf2: {  	vm2 =	vmor vm2, vm3  }
0xf3: {  	v8 =	vsel vm2, $0x1, v5  }
0xf4: {  	p0 =	por $0x1, $0x1;
	s13 =	simm.s32 $0x180;
	s17 =	simm.s32 $0x10;
	(xrf0) =	vadd.scan.msk.s32 $0xffff, v8;
	v8 =	vor.u32 s14, v4;
	[tilespmem:v7+s11+$0x0] =	vst.idx.msk vm0, v56  }
0xf5: {  	s12 =	smov.u32 s16  }
.LBB2_14:
0xf6: {  	s17 =	sadd.s32 $0x8, s17;
	[tilespmem:v7+s10+$0x0] =	vst.idx.msk vm0, v8  }
0xf7: {  	p1 =	slt.u32 s17, s9;
	vm0 =	vge.f32 v6, v2;
	vm3 =	vle.f32 v6, v3  }
0xf8: {  	v7 =	vmpcnt.ones.xlane vm1;
	vm1 =	vmor vm0, vm3  }
0xf9: {  	v8 =	vsel vm1, $0x1, v5;
	v11 =	vmpcnt.ones.xlane vm1  }
0xfa: {  	v7 =	vadd.s32 v10, v7;
	(xrf0) =	vadd.scan.msk.s32 $0xffff, v8  }
0xfb: {  	v8 =	vadd.s32 v7, v11;
	v10, _, _ =	vpop (xrf0)  }
0xfc: {  	v10 =	vadd.s32 v10, v8  }
0xfd: {  	v10 =	vadd.s32 $0xFFFFFFFF, v10;
	_ =	sdelay $0x1  }
0xfe: {  	v11 =	vld [tilespmem:s15+$0xFFFFFFC0]  }
0xff: {  	v12, _, _ =	vpop (xrf0)  }
0x100: {  	s14 =	sadd.s32 $0xFFFFFF30, s16;
	v7 =	vadd.s32 v12, v7  }
0x101: {  	v12 =	vor.u32 s14, v4;
	v7 =	vadd.s32 $0xFFFFFFFF, v7;
	[tilespmem:v10+s11+$0x0] =	vst.idx.msk vm2, v9  }
0x102: {  	[tilespmem:v10+s10+$0x0] =	vst.idx.msk vm2, v12  }
0x103: {  	v9 =	vld [tilespmem:s15+$0xFFFFFFB0];
	vm0 =	vge.f32 v11, v2;
	vm3 =	vle.f32 v11, v3  }
0x104: {  	vm0 =	vmor vm0, vm3  }
0x105: {  	s14 =	sadd.s32 $0xFFFFFF20, s16;
	v10 =	vsel vm0, $0x1, v5  }
0x106: {  	v12 =	vor.u32 s14, v4;
	[tilespmem:v7+s11+$0x0] =	vst.idx.msk vm1, v6;
	(xrf0) =	vadd.scan.msk.s32 $0xffff, v10  }
0x107: {  	[tilespmem:v7+s10+$0x0] =	vst.idx.msk vm1, v12  }
0x108: {  	vm1 =	vge.f32 v9, v2;
	vm3 =	vle.f32 v9, v3  }
0x109: {  	v6 =	vmpcnt.ones.xlane vm2;
	vm2 =	vmor vm1, vm3  }
0x10a: {  	v7 =	vsel vm2, $0x1, v5;
	v10 =	vmpcnt.ones.xlane vm2  }
0x10b: {  	v6 =	vadd.s32 v8, v6;
	(xrf0) =	vadd.scan.msk.s32 $0xffff, v7  }
0x10c: {  	v7 =	vadd.s32 v6, v10;
	v8, _, _ =	vpop (xrf0)  }
0x10d: {  	v8 =	vadd.s32 v8, v7  }
0x10e: {  	v8 =	vadd.s32 $0xFFFFFFFF, v8;
	_ =	sdelay $0x1  }
0x10f: {  	v10 =	vld [tilespmem:s15+$0xFFFFFFE0]  }
0x110: {  	v12, _, _ =	vpop (xrf0)  }
0x111: {  	s14 =	sadd.s32 $0xFFFFFF50, s16;
	v6 =	vadd.s32 v12, v6  }
0x112: {  	v12 =	vor.u32 s14, v4;
	v6 =	vadd.s32 $0xFFFFFFFF, v6;
	[tilespmem:v8+s11+$0x0] =	vst.idx.msk vm0, v11  }
0x113: {  	[tilespmem:v8+s10+$0x0] =	vst.idx.msk vm0, v12  }
0x114: {  	v8 =	vld [tilespmem:s15+$0xFFFFFFD0];
	vm1 =	vge.f32 v10, v2;
	vm3 =	vle.f32 v10, v3  }
0x115: {  	vm1 =	vmor vm1, vm3  }
0x116: {  	s14 =	sadd.s32 $0xFFFFFF40, s16;
	v11 =	vsel vm1, $0x1, v5  }
0x117: {  	v12 =	vor.u32 s14, v4;
	[tilespmem:v6+s11+$0x0] =	vst.idx.msk vm2, v9;
	(xrf0) =	vadd.scan.msk.s32 $0xffff, v11  }
0x118: {  	[tilespmem:v6+s10+$0x0] =	vst.idx.msk vm2, v12  }
0x119: {  	vm2 =	vge.f32 v8, v2;
	vm3 =	vle.f32 v8, v3  }
0x11a: {  	v6 =	vmpcnt.ones.xlane vm0;
	vm2 =	vmor vm2, vm3  }
0x11b: {  	v12 =	vsel vm2, $0x1, v5;
	v11 =	vmpcnt.ones.xlane vm2  }
0x11c: {  	v6 =	vadd.s32 v7, v6;
	(xrf0) =	vadd.scan.msk.s32 $0xffff, v12  }
0x11d: {  	v7 =	vadd.s32 v6, v11;
	v9, _, _ =	vpop (xrf0)  }
0x11e: {  	v9 =	vadd.s32 v9, v7  }
0x11f: {  	v9 =	vadd.s32 $0xFFFFFFFF, v9;
	_ =	sdelay $0x1  }
0x120: {  	v11 =	vld [tilespmem:s15+$0x0]  }
0x121: {  	v12, _, _ =	vpop (xrf0)  }
0x122: {  	s14 =	sadd.s32 $0xFFFFFF70, s16;
	v6 =	vadd.s32 v12, v6  }
0x123: {  	v12 =	vor.u32 s14, v4;
	v6 =	vadd.s32 $0xFFFFFFFF, v6;
	[tilespmem:v9+s11+$0x0] =	vst.idx.msk vm1, v10  }
0x124: {  	[tilespmem:v9+s10+$0x0] =	vst.idx.msk vm1, v12  }
0x125: {  	v9 =	vld [tilespmem:s15+$0xFFFFFFF0];
	vm0 =	vge.f32 v11, v2;
	vm3 =	vle.f32 v11, v3  }
0x126: {  	vm0 =	vmor vm0, vm3  }
0x127: {  	s14 =	sadd.s32 $0xFFFFFF60, s16;
	v10 =	vsel vm0, $0x1, v5  }
0x128: {  	v12 =	vor.u32 s14, v4;
	[tilespmem:v6+s11+$0x0] =	vst.idx.msk vm2, v8;
	(xrf0) =	vadd.scan.msk.s32 $0xffff, v10  }
0x129: {  	[tilespmem:v6+s10+$0x0] =	vst.idx.msk vm2, v12  }
0x12a: {  	vm2 =	vge.f32 v9, v2;
	vm3 =	vle.f32 v9, v3  }
0x12b: {  	v6 =	vmpcnt.ones.xlane vm1;
	vm2 =	vmor vm2, vm3  }
0x12c: {  	v12 =	vsel vm2, $0x1, v5;
	v10 =	vmpcnt.ones.xlane vm2  }
0x12d: {  	v6 =	vadd.s32 v7, v6;
	(xrf0) =	vadd.scan.msk.s32 $0xffff, v12  }
0x12e: {  	v7 =	vadd.s32 v6, v10;
	v8, _, _ =	vpop (xrf0)  }
0x12f: {  	v8 =	vadd.s32 v8, v7  }
0x130: {  	v8 =	vadd.s32 $0xFFFFFFFF, v8;
	_ =	sdelay $0x1  }
0x131: {  	v10 =	vld [tilespmem:s15+$0x20]  }
0x132: {  	v12, _, _ =	vpop (xrf0)  }
0x133: {  	s14 =	sadd.s32 $0xFFFFFF90, s16;
	v6 =	vadd.s32 v12, v6  }
0x134: {  	v12 =	vor.u32 s14, v4;
	v6 =	vadd.s32 $0xFFFFFFFF, v6;
	[tilespmem:v8+s11+$0x0] =	vst.idx.msk vm0, v11  }
0x135: {  	[tilespmem:v8+s10+$0x0] =	vst.idx.msk vm0, v12  }
0x136: {  	v8 =	vld [tilespmem:s15+$0x10];
	vm1 =	vge.f32 v10, v2;
	vm3 =	vle.f32 v10, v3  }
0x137: {  	vm1 =	vmor vm1, vm3  }
0x138: {  	s14 =	sadd.s32 $0xFFFFFF80, s16;
	v11 =	vsel vm1, $0x1, v5  }
0x139: {  	v12 =	vor.u32 s14, v4;
	[tilespmem:v6+s11+$0x0] =	vst.idx.msk vm2, v9;
	(xrf0) =	vadd.scan.msk.s32 $0xffff, v11  }
0x13a: {  	[tilespmem:v6+s10+$0x0] =	vst.idx.msk vm2, v12  }
0x13b: {  	vm2 =	vge.f32 v8, v2;
	vm3 =	vle.f32 v8, v3  }
0x13c: {  	v6 =	vmpcnt.ones.xlane vm0;
	vm0 =	vmor vm2, vm3  }
0x13d: {  	v12 =	vsel vm0, $0x1, v5;
	v11 =	vmpcnt.ones.xlane vm0  }
0x13e: {  	v6 =	vadd.s32 v7, v6;
	(xrf0) =	vadd.scan.msk.s32 $0xffff, v12  }
0x13f: {  	v7 =	vadd.s32 v6, v11;
	v9, _, _ =	vpop (xrf0)  }
0x140: {  	v9 =	vadd.s32 v9, v7  }
0x141: {  	v9 =	vadd.s32 $0xFFFFFFFF, v9;
	_ =	sdelay $0x1  }
0x142: {  	v11 =	vld [tilespmem:s15+$0x40]  }
0x143: {  	v12, _, _ =	vpop (xrf0)  }
0x144: {  	s14 =	sadd.s32 $0xFFFFFFB0, s16;
	v6 =	vadd.s32 v12, v6  }
0x145: {  	v12 =	vor.u32 s14, v4;
	v6 =	vadd.s32 $0xFFFFFFFF, v6;
	[tilespmem:v9+s11+$0x0] =	vst.idx.msk vm1, v10  }
0x146: {  	[tilespmem:v9+s10+$0x0] =	vst.idx.msk vm1, v12  }
0x147: {  	v9 =	vld [tilespmem:s15+$0x30];
	vm2 =	vge.f32 v11, v2;
	vm3 =	vle.f32 v11, v3  }
0x148: {  	vm2 =	vmor vm2, vm3  }
0x149: {  	s14 =	sadd.s32 $0xFFFFFFA0, s16;
	v10 =	vsel vm2, $0x1, v5  }
0x14a: {  	v12 =	vor.u32 s14, v4;
	[tilespmem:v6+s11+$0x0] =	vst.idx.msk vm0, v8;
	(xrf0) =	vadd.scan.msk.s32 $0xffff, v10  }
0x14b: {  	[tilespmem:v6+s10+$0x0] =	vst.idx.msk vm0, v12  }
0x14c: {  	vm0 =	vge.f32 v9, v2;
	vm3 =	vle.f32 v9, v3  }
0x14d: {  	v6 =	vmpcnt.ones.xlane vm1;
	vm1 =	vmor vm0, vm3  }
0x14e: {  	v12 =	vsel vm1, $0x1, v5;
	v10 =	vmpcnt.ones.xlane vm1  }
0x14f: {  	v6 =	vadd.s32 v7, v6;
	(xrf0) =	vadd.scan.msk.s32 $0xffff, v12  }
0x150: {  	v7 =	vadd.s32 v6, v10;
	v8, _, _ =	vpop (xrf0)  }
0x151: {  	v8 =	vadd.s32 v8, v7  }
0x152: {  	v8 =	vadd.s32 $0xFFFFFFFF, v8;
	_ =	sdelay $0x1  }
0x153: {  	v10 =	vld [tilespmem:s15+$0x60]  }
0x154: {  	v12, _, _ =	vpop (xrf0)  }
0x155: {  	s14 =	sadd.s32 $0xFFFFFFD0, s16;
	v6 =	vadd.s32 v12, v6  }
0x156: {  	v12 =	vor.u32 s14, v4;
	v6 =	vadd.s32 $0xFFFFFFFF, v6;
	[tilespmem:v8+s11+$0x0] =	vst.idx.msk vm2, v11  }
0x157: {  	[tilespmem:v8+s10+$0x0] =	vst.idx.msk vm2, v12  }
0x158: {  	v8 =	vld [tilespmem:s15+$0x50];
	vm0 =	vge.f32 v10, v2;
	vm3 =	vle.f32 v10, v3  }
0x159: {  	vm0 =	vmor vm0, vm3  }
0x15a: {  	s14 =	sadd.s32 $0xFFFFFFC0, s16;
	v11 =	vsel vm0, $0x1, v5  }
0x15b: {  	v12 =	vor.u32 s14, v4;
	[tilespmem:v6+s11+$0x0] =	vst.idx.msk vm1, v9;
	(xrf0) =	vadd.scan.msk.s32 $0xffff, v11  }
0x15c: {  	[tilespmem:v6+s10+$0x0] =	vst.idx.msk vm1, v12  }
0x15d: {  	vm1 =	vge.f32 v8, v2;
	vm3 =	vle.f32 v8, v3  }
0x15e: {  	v6 =	vmpcnt.ones.xlane vm2;
	vm2 =	vmor vm1, vm3  }
0x15f: {  	v12 =	vsel vm2, $0x1, v5;
	v11 =	vmpcnt.ones.xlane vm2  }
0x160: {  	v6 =	vadd.s32 v7, v6;
	(xrf0) =	vadd.scan.msk.s32 $0xffff, v12  }
0x161: {  	v7 =	vadd.s32 v6, v11;
	v9, _, _ =	vpop (xrf0)  }
0x162: {  	v9 =	vadd.s32 v9, v7  }
0x163: {  	v9 =	vadd.s32 $0xFFFFFFFF, v9  }
0x164: {  	s15 =	sadd.s32 $0x100, s15  }
0x165: {  	v11 =	vld [tilespmem:s15+$0xFFFFFF80]  }
0x166: {  	v12, _, _ =	vpop (xrf0)  }
0x167: {  	s14 =	sadd.s32 $0xFFFFFFF0, s16;
	v6 =	vadd.s32 v12, v6  }
0x168: {  	v12 =	vor.u32 s14, v4;
	v6 =	vadd.s32 $0xFFFFFFFF, v6;
	[tilespmem:v9+s11+$0x0] =	vst.idx.msk vm0, v10  }
0x169: {  	[tilespmem:v9+s10+$0x0] =	vst.idx.msk vm0, v12  }
0x16a: {  	vm1 =	vge.f32 v11, v2;
	vm3 =	vle.f32 v11, v3;
	v12 =	vld [tilespmem:s13+$0x70];
	s13 =	smov.u32 s15  }
0x16b: {  	vm1 =	vmor vm1, vm3  }
0x16c: {  	s14 =	sadd.s32 $0xFFFFFFE0, s16;
	v9 =	vsel vm1, $0x1, v5  }
0x16d: {  	(xrf0) =	vadd.scan.msk.s32 $0xffff, v9;
	v9 =	vor.u32 s14, v4;
	[tilespmem:v6+s11+$0x0] =	vst.idx.msk vm2, v8  }
0x16e: {  	[tilespmem:v6+s10+$0x0] =	vst.idx.msk vm2, v9  }
0x16f: {  	vm2 =	vge.f32 v12, v2;
	vm3 =	vle.f32 v12, v3  }
0x170: {  	v6 =	vmpcnt.ones.xlane vm0;
	vm0 =	vmor vm2, vm3  }
0x171: {  	v8 =	vsel vm0, $0x1, v5;
	v9 =	vmpcnt.ones.xlane vm0  }
0x172: {  	v6 =	vadd.s32 v7, v6;
	(xrf0) =	vadd.scan.msk.s32 $0xffff, v8  }
0x173: {  	v7, _, _ =	vpop (xrf0);
	v10 =	vadd.s32 v6, v9  }
0x174: {  	v7 =	vadd.s32 v7, v10  }
0x175: {  	v8 =	vadd.s32 $0xFFFFFFFF, v7;
	_ =	sdelay $0x1  }
0x176: {  	v9 =	vld [tilespmem:s15+$0xFFFFFFA0]  }
0x177: {  	s16 =	sadd.s32 $0x100, s16;
	v7, _, _ =	vpop (xrf0)  }
0x178: {  	s14 =	sadd.s32 $0xFFFFFF10, s16;
	v6 =	vadd.s32 v7, v6  }
0x179: {  	v13 =	vor.u32 s14, v4;
	[tilespmem:v8+s11+$0x0] =	vst.idx.msk vm1, v11;
	v7 =	vadd.s32 $0xFFFFFFFF, v6  }
.Ltmp6:
0x17a: {  	[tilespmem:v8+s10+$0x0] =	vst.idx.msk vm1, v13;
	(pc) =	sbr.rel @p1 .LBB2_14-.Ltmp6, $4  }
0x17b: {  	v6 =	vld [tilespmem:s15+$0xFFFFFF90];
	vm2 =	vge.f32 v9, v2;
	vm3 =	vle.f32 v9, v3  }
0x17c: {  	vm2 =	vmor vm2, vm3  }
0x17d: {  	v8 =	vsel vm2, $0x1, v5  }
0x17e: {  	(xrf0) =	vadd.scan.msk.s32 $0xffff, v8;
	v8 =	vor.u32 s12, v4;
	[tilespmem:v7+s11+$0x0] =	vst.idx.msk vm0, v12;
	s12 =	smov.u32 s16  }
0x17f: {  	s17 =	smov.u32 s15;
	s14 =	smov.u32 s16  }
.LBB2_16:
0x180: {  	vm3 =	vge.f32 v6, v2;
	vm4 =	vle.f32 v6, v3  }
0x181: {  	v11 =	vmpcnt.ones.xlane vm1;
	vm1 =	vmor vm3, vm4  }
0x182: {  	v12 =	vmpcnt.ones.xlane vm1  }
0x183: {  	v10 =	vadd.s32 v10, v11  }
0x184: {  	v11 =	vadd.s32 v10, v12;
	v59, _, _ =	vpop (xrf0)  }
0x185: {  	v12 =	vadd.s32 v59, v11  }
0x186: {  	v12 =	vadd.s32 $0xFFFFFFFF, v12;
	_ =	sdelay $0x1  }
0x187: {  	v14 =	vld [tilespmem:s17+$0xFFFFFFC0];
	_ =	sdelay $0x1  }
0x188: {  	s15 =	sadd.s32 $0xFFFFFF30, s14  }
0x189: {  	v13 =	vor.u32 s15, v4;
	[tilespmem:v12+s11+$0x0] =	vst.idx.msk vm2, v9  }
0x18a: {  	[tilespmem:v12+s10+$0x0] =	vst.idx.msk vm2, v13  }
0x18b: {  	vm9 =	vge.f32 v14, v2;
	vm10 =	vle.f32 v14, v3;
	v9 =	vld [tilespmem:s17+$0xFFFFFFB0]  }
0x18c: {  	v60 =	vsel vm1, $0x1, v5;
	vm3 =	vmor vm9, vm10  }
0x18d: {  	(xrf0) =	vadd.scan.msk.s32 $0xffff, v60;
	v61 =	vsel vm3, $0x1, v5  }
0x18e: {  	(xrf0) =	vadd.scan.msk.s32 $0xffff, v61;
	_ =	sdelay $0x1  }
0x18f: {  	vm11 =	vge.f32 v9, v2;
	vm5 =	vle.f32 v9, v3  }
0x190: {  	v62 =	vmpcnt.ones.xlane vm2;
	vm2 =	vmor vm11, vm5  }
0x191: {  	v15 =	vmpcnt.ones.xlane vm2  }
0x192: {  	v63, _, _ =	vpop (xrf0);
	v12 =	vadd.s32 v11, v62  }
0x193: {  	v24, _, _ =	vpop (xrf0);
	v15 =	vadd.s32 v12, v15  }
0x194: {  	v11 =	vadd.s32 v24, v15  }
0x195: {  	v11 =	vadd.s32 $0xFFFFFFFF, v11;
	_ =	sdelay $0x1  }
0x196: {  	v16 =	vld [tilespmem:s17+$0xFFFFFFE0];
	_ =	sdelay $0x1  }
0x197: {  	s18 =	sadd.s32 $0xFFFFFF50, s14  }
0x198: {  	v17 =	vor.u32 s18, v4;
	[tilespmem:v11+s11+$0x0] =	vst.idx.msk vm3, v14  }
0x199: {  	[tilespmem:v11+s10+$0x0] =	vst.idx.msk vm3, v17  }
0x19a: {  	vm12 =	vge.f32 v16, v2;
	vm13 =	vle.f32 v16, v3;
	v11 =	vld [tilespmem:s17+$0xFFFFFFD0]  }
0x19b: {  	vm4 =	vmor vm12, vm13;
	v25 =	vsel vm2, $0x1, v5  }
0x19c: {  	v26 =	vsel vm4, $0x1, v5;
	(xrf0) =	vadd.scan.msk.s32 $0xffff, v25  }
0x19d: {  	(xrf0) =	vadd.scan.msk.s32 $0xffff, v26;
	_ =	sdelay $0x1  }
0x19e: {  	vm14 =	vge.f32 v11, v2;
	vm6 =	vle.f32 v11, v3  }
0x19f: {  	v27 =	vmpcnt.ones.xlane vm3;
	vm3 =	vmor vm14, vm6  }
0x1a0: {  	v28 =	vmpcnt.ones.xlane vm3  }
0x1a1: {  	v15 =	vadd.s32 v15, v27;
	v18, _, _ =	vpop (xrf0)  }
0x1a2: {  	v29, _, _ =	vpop (xrf0);
	v17 =	vadd.s32 v15, v28  }
0x1a3: {  	v14 =	vadd.s32 v29, v17  }
0x1a4: {  	v14 =	vadd.s32 $0xFFFFFFFF, v14;
	_ =	sdelay $0x1  }
0x1a5: {  	v19 =	vld [tilespmem:s17+$0x0];
	_ =	sdelay $0x1  }
0x1a6: {  	s19 =	sadd.s32 $0xFFFFFF70, s14  }
0x1a7: {  	v20 =	vor.u32 s19, v4;
	[tilespmem:v14+s11+$0x0] =	vst.idx.msk vm4, v16  }
0x1a8: {  	[tilespmem:v14+s10+$0x0] =	vst.idx.msk vm4, v20  }
0x1a9: {  	vm15 =	vge.f32 v19, v2;
	vm9 =	vle.f32 v19, v3;
	v14 =	vld [tilespmem:s17+$0xFFFFFFF0]  }
0x1aa: {  	vm5 =	vmor vm15, vm9;
	v30 =	vsel vm3, $0x1, v5  }
0x1ab: {  	v31 =	vsel vm5, $0x1, v5;
	(xrf0) =	vadd.scan.msk.s32 $0xffff, v30  }
0x1ac: {  	(xrf0) =	vadd.scan.msk.s32 $0xffff, v31;
	_ =	sdelay $0x1  }
0x1ad: {  	vm10 =	vge.f32 v14, v2;
	vm7 =	vle.f32 v14, v3  }
0x1ae: {  	v32 =	vmpcnt.ones.xlane vm4;
	vm4 =	vmor vm10, vm7  }
0x1af: {  	v33 =	vmpcnt.ones.xlane vm4  }
0x1b0: {  	v21, _, _ =	vpop (xrf0);
	v16 =	vadd.s32 v17, v32  }
0x1b1: {  	v34, _, _ =	vpop (xrf0);
	v17 =	vadd.s32 v16, v33  }
0x1b2: {  	v20 =	vadd.s32 v34, v17  }
0x1b3: {  	v20 =	vadd.s32 $0xFFFFFFFF, v20;
	_ =	sdelay $0x1  }
0x1b4: {  	v22 =	vld [tilespmem:s17+$0x20];
	_ =	sdelay $0x1  }
0x1b5: {  	s20 =	sadd.s32 $0xFFFFFF90, s14  }
0x1b6: {  	v23 =	vor.u32 s20, v4;
	[tilespmem:v20+s11+$0x0] =	vst.idx.msk vm5, v19  }
0x1b7: {  	[tilespmem:v20+s10+$0x0] =	vst.idx.msk vm5, v23  }
0x1b8: {  	vm12 =	vle.f32 v22, v3;
	vm11 =	vge.f32 v22, v2;
	v19 =	vld [tilespmem:s17+$0x10]  }
0x1b9: {  	vm6 =	vmor vm11, vm12;
	v35 =	vsel vm4, $0x1, v5  }
0x1ba: {  	v36 =	vsel vm6, $0x1, v5;
	(xrf0) =	vadd.scan.msk.s32 $0xffff, v35  }
0x1bb: {  	(xrf0) =	vadd.scan.msk.s32 $0xffff, v36;
	_ =	sdelay $0x1  }
0x1bc: {  	vm13 =	vge.f32 v19, v2;
	vm8 =	vle.f32 v19, v3  }
0x1bd: {  	v37 =	vmpcnt.ones.xlane vm5;
	vm5 =	vmor vm13, vm8  }
0x1be: {  	v38 =	vmpcnt.ones.xlane vm5  }
0x1bf: {  	v17 =	vadd.s32 v17, v37;
	v24, _, _ =	vpop (xrf0)  }
0x1c0: {  	v39, _, _ =	vpop (xrf0);
	v20 =	vadd.s32 v17, v38  }
0x1c1: {  	v23 =	vadd.s32 v39, v20  }
0x1c2: {  	v23 =	vadd.s32 $0xFFFFFFFF, v23;
	_ =	sdelay $0x1  }
0x1c3: {  	v25 =	vld [tilespmem:s17+$0x40];
	_ =	sdelay $0x1  }
0x1c4: {  	s21 =	sadd.s32 $0xFFFFFFB0, s14  }
0x1c5: {  	v26 =	vor.u32 s21, v4;
	[tilespmem:v23+s11+$0x0] =	vst.idx.msk vm6, v22  }
0x1c6: {  	[tilespmem:v23+s10+$0x0] =	vst.idx.msk vm6, v26  }
0x1c7: {  	vm15 =	vle.f32 v25, v3;
	vm14 =	vge.f32 v25, v2;
	v22 =	vld [tilespmem:s17+$0x30]  }
0x1c8: {  	vm7 =	vmor vm14, vm15;
	v40 =	vsel vm5, $0x1, v5  }
0x1c9: {  	v41 =	vsel vm7, $0x1, v5;
	(xrf0) =	vadd.scan.msk.s32 $0xffff, v40  }
0x1ca: {  	(xrf0) =	vadd.scan.msk.s32 $0xffff, v41;
	_ =	sdelay $0x1  }
0x1cb: {  	vm12 =	vge.f32 v22, v2;
	vm9 =	vle.f32 v22, v3  }
0x1cc: {  	v42 =	vmpcnt.ones.xlane vm6;
	vm6 =	vmor vm12, vm9  }
0x1cd: {  	v43 =	vmpcnt.ones.xlane vm6  }
0x1ce: {  	v20 =	vadd.s32 v20, v42;
	v27, _, _ =	vpop (xrf0)  }
0x1cf: {  	v44, _, _ =	vpop (xrf0);
	v23 =	vadd.s32 v20, v43  }
0x1d0: {  	v26 =	vadd.s32 v44, v23  }
0x1d1: {  	v26 =	vadd.s32 $0xFFFFFFFF, v26;
	_ =	sdelay $0x1  }
0x1d2: {  	v28 =	vld [tilespmem:s17+$0x60];
	_ =	sdelay $0x1  }
0x1d3: {  	s22 =	sadd.s32 $0xFFFFFFD0, s14  }
0x1d4: {  	v29 =	vor.u32 s22, v4;
	[tilespmem:v26+s11+$0x0] =	vst.idx.msk vm7, v25  }
0x1d5: {  	[tilespmem:v26+s10+$0x0] =	vst.idx.msk vm7, v29  }
0x1d6: {  	vm14 =	vle.f32 v28, v3;
	vm13 =	vge.f32 v28, v2;
	v25 =	vld [tilespmem:s17+$0x50]  }
0x1d7: {  	vm8 =	vmor vm13, vm14;
	v45 =	vsel vm6, $0x1, v5  }
0x1d8: {  	v46 =	vsel vm8, $0x1, v5;
	(xrf0) =	vadd.scan.msk.s32 $0xffff, v45  }
0x1d9: {  	(xrf0) =	vadd.scan.msk.s32 $0xffff, v46;
	_ =	sdelay $0x1  }
0x1da: {  	vm15 =	vge.f32 v25, v2;
	vm10 =	vle.f32 v25, v3  }
0x1db: {  	v47 =	vmpcnt.ones.xlane vm7;
	vm12 =	vmor vm15, vm10  }
0x1dc: {  	v48 =	vmpcnt.ones.xlane vm12  }
0x1dd: {  	v23 =	vadd.s32 v23, v47;
	v30, _, _ =	vpop (xrf0)  }
0x1de: {  	v49, _, _ =	vpop (xrf0);
	v26 =	vadd.s32 v23, v48  }
0x1df: {  	v29 =	vadd.s32 v49, v26  }
0x1e0: {  	v29 =	vadd.s32 $0xFFFFFFFF, v29;
	_ =	sdelay $0x3  }
0x1e1: {  	s23 =	sadd.s32 $0xFFFFFFF0, s14  }
0x1e2: {  	v50 =	vor.u32 s23, v4;
	[tilespmem:v29+s11+$0x0] =	vst.idx.msk vm8, v28  }
0x1e3: {  	[tilespmem:v29+s10+$0x0] =	vst.idx.msk vm8, v50  }
0x1e4: {  	v28 =	vld [tilespmem:s13+$0x70]  }
0x1e5: {  	v10 =	vadd.s32 v63, v10  }
0x1e6: {  	v10 =	vadd.s32 $0xFFFFFFFF, v10  }
0x1e7: {  	v12 =	vadd.s32 v18, v12  }
0x1e8: {  	v12 =	vadd.s32 $0xFFFFFFFF, v12;
	v51 =	vadd.s32 v21, v15  }
0x1e9: {  	v52 =	vsel vm12, $0x1, v5;
	vm13 =	vge.f32 v28, v2;
	vm14 =	vle.f32 v28, v3  }
0x1ea: {  	[tilespmem:v7+s10+$0x0] =	vst.idx.msk @p0 vm0, v8;
	s24 =	sadd.s32 $0xFFFFFF20, s14;
	v7 =	vadd.s32 $0xFFFFFFFF, v51;
	(xrf0) =	vadd.scan.msk.s32 $0xffff, v52;
	vm15 =	vmor vm13, vm14  }
0x1eb: {  	v53 =	vor.u32 s24, v4;
	[tilespmem:v10+s11+$0x0] =	vst.idx.msk vm1, v6;
	v6 =	vadd.s32 v24, v16;
	v5 =	vsel vm15, $0x1, v5  }
0x1ec: {  	s25 =	sadd.s32 $0xFFFFFF40, s14;
	[tilespmem:v10+s10+$0x0] =	vst.idx.msk vm1, v53;
	(xrf0) =	vadd.scan.msk.s32 $0xffff, v5;
	v5 =	vadd.s32 $0xFFFFFFFF, v6  }
0x1ed: {  	v54 =	vor.u32 s25, v4;
	[tilespmem:v12+s11+$0x0] =	vst.idx.msk vm2, v9;
	v6 =	vadd.s32 v27, v17  }
0x1ee: {  	s26 =	sadd.s32 $0xFFFFFF60, s14;
	[tilespmem:v12+s10+$0x0] =	vst.idx.msk vm2, v54;
	v6 =	vadd.s32 $0xFFFFFFFF, v6  }
0x1ef: {  	v56 =	vor.u32 s26, v4;
	[tilespmem:v7+s11+$0x0] =	vst.idx.msk vm3, v11;
	v55 =	vadd.s32 v30, v20  }
0x1f0: {  	s28 =	sadd.s32 $0xFFFFFF80, s14;
	[tilespmem:v7+s10+$0x0] =	vst.idx.msk vm3, v56;
	v7 =	vmpcnt.ones.xlane vm8;
	v8 =	vadd.s32 $0xFFFFFFFF, v55;
	v57, _, _ =	vpop (xrf0)  }
0x1f1: {  	v58 =	vor.u32 s28, v4;
	v9 =	vadd.s32 v57, v23;
	[tilespmem:v5+s11+$0x0] =	vst.idx.msk vm4, v14  }
0x1f2: {  	s29 =	sadd.s32 $0xFFFFFFA0, s14;
	v7 =	vadd.s32 v26, v7;
	[tilespmem:v5+s10+$0x0] =	vst.idx.msk vm4, v58;
	v5 =	vadd.s32 $0xFFFFFFFF, v9;
	v59, _, _ =	vpop (xrf0)  }
0x1f3: {  	v60 =	vor.u32 s29, v4;
	[tilespmem:v6+s11+$0x0] =	vst.idx.msk vm5, v19;
	v9 =	vadd.s32 v59, v7  }
0x1f4: {  	s30 =	sadd.s32 $0xFFFFFFC0, s14;
	[tilespmem:v6+s10+$0x0] =	vst.idx.msk vm5, v60;
	v6 =	vadd.s32 $0xFFFFFFFF, v9  }
0x1f5: {  	v61 =	vor.u32 s30, v4;
	[tilespmem:v8+s11+$0x0] =	vst.idx.msk vm6, v22  }
0x1f6: {  	s31 =	sadd.s32 $0xFFFFFFE0, s14;
	[tilespmem:v8+s10+$0x0] =	vst.idx.msk vm6, v61  }
0x1f7: {  	v62 =	vor.u32 s31, v4;
	[tilespmem:v5+s11+$0x0] =	vst.idx.msk vm12, v25  }
0x1f8: {  	[tilespmem:v5+s10+$0x0] =	vst.idx.msk vm12, v62;
	v5 =	vmpcnt.ones.xlane vm15  }
0x1f9: {  	v63 =	vor.u32 s12, v4;
	[tilespmem:v6+s11+$0x0] =	vst.idx.msk vm15, v28  }
0x1fa: {  	v4 =	vadd.s32 v7, v5;
	[tilespmem:v6+s10+$0x0] =	vst.idx.msk vm15, v63  }
0x1fb: {  	p0 =	seq.s32 s9, s7  }
.Ltmp7:
0x1fc: {  	_ = 	snop;
	(pc) =	sbr.rel @p0 .LBB2_10-.Ltmp7, $1  }
0x1fd: {  	_ =	sdelay $0x3  }
0x1fe: {  	s10 =	sshll.u32 s7, $0x5  }
0x1ff: {  	s11 =	sand.u32 $0x1F00, s10  }
0x200: {  	s12 =	simm.s32 $0x3180;
	s8 =	sadd.s32 s11, s8  }
0x201: {  	v5 =	vlaneseq.u32;
	v6 =	vimm.s32 $0x0;
	s10 =	sor.u32 $0x10, s11;
	s11 =	simm.s32 $0x1880;
	s8 =	sadd.s32 $0x10, s8  }
.LBB2_9:
0x202: {  	v7 =	vld [tilespmem:s10+$0xFFFFFFF0];
	_ =	sdelay $0x4  }
0x203: {  	vm0 =	vge.f32 v7, v2;
	vm1 =	vle.f32 v7, v3  }
0x204: {  	vm0 =	vmor vm0, vm1  }
0x205: {  	v8 =	vsel vm0, $0x1, v6  }
0x206: {  	(xrf0) =	vadd.scan.msk.s32 $0xffff, v8;
	_ =	sdelay $0x5  }
0x207: {  	v8, _, _ =	vpop (xrf0)  }
0x208: {  	v8 =	vadd.s32 v8, v4  }
0x209: {  	v8 =	vadd.s32 $0xFFFFFFFF, v8;
	_ =	sdelay $0x3  }
0x20a: {  	s13 =	sadd.s32 $0xFFFFFFF0, s8  }
0x20b: {  	v9 =	vor.u32 s13, v5;
	[tilespmem:v8+s11+$0x0] =	vst.idx.msk vm0, v7  }
0x20c: {  	[tilespmem:v8+s12+$0x0] =	vst.idx.msk vm0, v9  }
0x20d: {  	v7 =	vld [tilespmem:s10+$0x0];
	_ =	sdelay $0x4  }
0x20e: {  	vm15 =	vge.f32 v7, v2;
	vm2 =	vle.f32 v7, v3  }
0x20f: {  	vm1 =	vmor vm15, vm2  }
0x210: {  	v8 =	vsel vm1, $0x1, v6  }
0x211: {  	(xrf0) =	vadd.scan.msk.s32 $0xffff, v8;
	_ =	sdelay $0x1  }
0x212: {  	v8 =	vmpcnt.ones.xlane vm0;
	_ =	sdelay $0x3  }
0x213: {  	v4 =	vadd.s32 v4, v8;
	v8, _, _ =	vpop (xrf0)  }
0x214: {  	v8 =	vadd.s32 v8, v4  }
0x215: {  	s9 =	sadd.s32 $0x1, s9;
	v8 =	vadd.s32 $0xFFFFFFFF, v8  }
0x216: {  	p0 =	slt.u32 s9, s7  }
.Ltmp8:
0x217: {  	_ = 	snop;
	(pc) =	sbr.rel @p0 .LBB2_9-.Ltmp8, $4  }
0x218: {  	_ = 	snop  }
0x219: {  	v63 =	vmpcnt.ones.xlane vm1  }
0x21a: {  	[tilespmem:v8+s11+$0x0] =	vst.idx.msk vm1, v7;
	v7 =	vor.u32 s8, v5  }
0x21b: {  	s10 =	sadd.s32 $0x20, s10;
	v4 =	vadd.s32 v4, v63;
	s8 =	sadd.s32 $0x20, s8;
	[tilespmem:v8+s12+$0x0] =	vst.idx.msk vm1, v7  }
.LBB2_10:
0x21c: {  	v2 =	vxor.u32 $0x80000000, v4  }
0x21d: {  	(xrf0) =	vmax.scan.msk.u32 $0xffff, v2;
	_ =	sdelay $0x4  }
0x21e: {  	v2 =	vlaneseq.u32  }
0x21f: {  	(xrf1) =	vsort.dscd.msk.f32 $0xffff, v0, v2;
	v0, _, _ =	vpop (xrf0)  }
0x220: {  	(xrf1) =	vsort.dscd.msk.f32 $0xffff, v1, v2;
	(v2sf) =	vpush v0, $0xF;
	_ =	sdelay $0xb  }
0x221: {  	v0 =	vmul.u32 $0xFFFFFFFF, v2  }
0x222: {  	v1, _, _ =	vpop (xrf1)  }
0x223: {  	v0 =	vadd.s32 $0xF, v0;
	v3, _, _ =	vpop (xrf1)  }
0x224: {  	v3 =	vperm.xlane v3, v0;
	s7 =	spop (v2sf)  }
0x225: {  	s7 =	sadd.s32 $0x8000000F, s7  }
0x226: {  	v1 =	vmax.f32 v1, v3;
	s8 =	sand.u32 $0xF, s7  }
0x227: {  	(xrf0) =	vmin.scan.msk.f32 $0xffff, v1;
	s9 =	sshra.s32 s7, $0x1F;
	p0 =	slt.s32 s7, $0x1;
	p1 =	sne.s32 s8, $0x0  }
0x228: {  	s31 =	sshrl.u32 s9, $0x1C;
	p0 =	por !p0, !p1  }
0x229: {  	s9 =	simm.s32 $0x1;
	s7 =	sadd.s32 s31, s7;
	p0 =	por !p0, !p0  }
0x22a: {  	s7 =	sshra.s32 s7, $0x4;
	s9 =	simm.s32 @!p0 $0x0  }
0x22b: {  	v2 =	vadd.s32 v2, v4;
	s7 =	ssub.s32 s7, s9  }
0x22c: {  	p0 =	slt.s32 s7, $0x1  }
.Ltmp9:
0x22d: {  	v1, _, _ =	vpop (xrf0);
	(pc) =	sbr.rel @p0 .LBB2_11-.Ltmp9, $4  }
0x22e: {  	v1 =	vbroadcast v1, $0xF  }
0x22f: {  	s8 =	simm.s32 $0x1880  }
0x230: {  	[tilespmem:v2+s8+$0x0] =	vst.idx.msk $0xffff, v1;
	v1 =	vimm.s32 $0x7FFFFFFF;
	s9 =	simm.s32 $0x3180  }
0x231: {  	v3 =	vimm.f32 $-3.402823470e+38;
	[tilespmem:v2+s9+$0x0] =	vst.idx.msk $0xffff, v1;
	v2 =	vimm.f32 $3.402823470e+38  }
0x232: {  	p2 =	sne.s32 s7, $0x1  }
.Ltmp10:
0x233: {  	_ = 	snop;
	(pc) =	sbr.rel @!p2 .LBB2_18-.Ltmp10, $3  }
0x234: {  	_ =	sdelay $0x1  }
0x235: {  	v4 =	vld [tilespmem:s8+$0x0]  }
0x236: {  	v5 =	vld [tilespmem:s9+$0x0];
	s7 =	sadd.s32 $0xFFFFFFFF, s7;
	p0 =	por $0x0, $0x0;
	p1 =	por $0x0, $0x0  }
0x237: {  	_ =	sdelay $0x3  }
0x238: {  	(xrf1) =	vsort.dscd.msk.f32 $0xffff, v4, v5;
	_ =	sdelay $0x8  }
0x239: {  	p2 =	sne.s32 s7, $0x1  }
.Ltmp11:
0x23a: {  	_ = 	snop;
	(pc) =	sbr.rel @!p2 .LBB2_20-.Ltmp11, $4  }
0x23b: {  	_ = 	snop  }
0x23c: {  	s8 =	simm.s32 $0x1890  }
0x23d: {  	s31 =	simm.s32 $0x3190;
	v4 =	vld [tilespmem:s8+$0x0]  }
0x23e: {  	s9 =	sadd.s32 $0xFFFFFFFF, s7;
	p0 =	por $0x1, $0x1;
	v5 =	vld [tilespmem:s31+$0x0];
	v7, v6, _ =	vpop (xrf1)  }
0x23f: {  	_ =	sdelay $0x3  }
0x240: {  	(xrf1) =	vsort.dscd.msk.f32 $0xffff, v4, v5;
	v4 =	vperm.xlane v7, v0;
	v5 =	vperm.xlane v6, v0;
	_ =	sdelay $0x1  }
0x241: {  	v6 =	vperm.xlane v4, v0;
	v7 =	vperm.xlane v5, v0  }
0x242: {  	vm0 =	vgt.f32 v3, v4;
	vm1 =	veq.f32 v3, v4;
	vm2 =	vlt.s32 v1, v5  }
0x243: {  	vm1 =	vmand vm1, vm2;
	vm13 =	veq.f32 v2, v6;
	vm3 =	vlt.s32 v1, v7  }
0x244: {  	vm0 =	vmor vm0, vm1;
	vm14 =	vlt.f32 v2, v6;
	vm2 =	vmand vm13, vm3  }
0x245: {  	v4 =	vsel vm0, v3, v4;
	v5 =	vsel vm0, v1, v5;
	vm15 =	vmor vm14, vm2  }
0x246: {  	(xrf1) =	vsort.dscd.msk.f32 $0xffff, v4, v5;
	v6 =	vsel vm15, v2, v6;
	v7 =	vsel vm15, v1, v7  }
0x247: {  	(xrf1) =	vsort.ascd.msk.f32 $0xffff, v6, v7;
	_ =	sdelay $0x4  }
0x248: {  	p2 =	sne.s32 s9, $0x1  }
.Ltmp12:
0x249: {  	_ = 	snop;
	(pc) =	sbr.rel @!p2 .LBB2_23-.Ltmp12, $4  }
0x24a: {  	_ = 	snop  }
0x24b: {  	s7 =	simm.s32 $0x18A0  }
0x24c: {  	s8 =	simm.s32 $0x31A0;
	v4 =	vld [tilespmem:s7+$0x0]  }
0x24d: {  	s9 =	sadd.s32 $0xFFFFFFFF, s9;
	p1 =	por $0x1, $0x1;
	v5 =	vld [tilespmem:s8+$0x0];
	v7, v6, _ =	vpop (xrf1)  }
.LBB2_22:
0x24e: {  	p2 =	sne.s32 s9, $0x1;
	v7 =	vperm.xlane v7, v0;
	v6 =	vperm.xlane v6, v0;
	_ =	sdelay $0x1  }
0x24f: {  	v8 =	vperm.xlane v7, v0;
	v9 =	vperm.xlane v6, v0;
	v10, v11, _ =	vpop (xrf1)  }
0x250: {  	vm0 =	vgt.f32 v10, v7;
	vm1 =	veq.f32 v10, v7;
	vm2 =	vlt.s32 v11, v6;
	v12, v13, _ =	vpop (xrf1)  }
0x251: {  	(xrf1) =	vsort.dscd.msk.f32 $0xffff, v4, v5;
	vm1 =	vmand vm1, vm2;
	vm2 =	veq.f32 v12, v8;
	vm3 =	vlt.s32 v13, v9  }
0x252: {  	vm0 =	vmor vm0, vm1;
	vm1 =	vlt.f32 v12, v8;
	vm2 =	vmand vm2, vm3  }
0x253: {  	v4 =	vsel vm0, v10, v7;
	v5 =	vsel vm0, v11, v6;
	vm0 =	vmor vm1, vm2  }
0x254: {  	v6 =	vsel vm0, v12, v8;
	v7 =	vsel vm0, v13, v9;
	(xrf1) =	vsort.dscd.msk.f32 $0xffff, v4, v5  }
0x255: {  	(xrf1) =	vsort.ascd.msk.f32 $0xffff, v6, v7;
	_ =	sdelay $0x5  }
.Ltmp13:
0x256: {  	(pc) =	sbr.rel @p2 .LBB2_22-.Ltmp13, $4  }
0x257: {  	_ = 	snop  }
0x258: {  	s7 =	sadd.s32 $0x10, s7  }
0x259: {  	s8 =	sadd.s32 $0x10, s8;
	v4 =	vld [tilespmem:s7+$0x0]  }
0x25a: {  	s9 =	sadd.s32 $0xFFFFFFFF, s9;
	v5 =	vld [tilespmem:s8+$0x0];
	v7, v6, _ =	vpop (xrf1)  }
.LBB2_23:
0x25b: {  	_ = 	snop  }
0x25c: {  	v7 =	vperm.xlane @p0 v7, v0  }
0x25d: {  	v6 =	vperm.xlane @p0 v6, v0;
	v8, v9, _ =	vpop @p1 (xrf1)  }
0x25e: {  	v10 =	vperm.xlane @p0 v7, v0;
	v8 =	vpsel p1, v8, v3  }
0x25f: {  	v11 =	vperm.xlane @p0 v6, v0;
	v9 =	vpsel p1, v9, v1;
	v12, v13, _ =	vpop @p1 (xrf1);
	vm0 =	vgt.f32 @p0 v8, v7  }
0x260: {  	vm1 =	veq.f32 @p0 v8, v7;
	vm2 =	vlt.s32 @p0 v9, v6;
	v12 =	vpsel p1, v12, v2  }
0x261: {  	v13 =	vpsel p1, v13, v1;
	vm1 =	vmand @p0 vm1, vm2;
	vm2 =	veq.f32 @p0 v12, v10  }
0x262: {  	(xrf1) =	vsort.dscd.msk.f32 $0xffff, v4, v5;
	vm3 =	vlt.s32 @p0 v13, v11;
	vm0 =	vmor @p0 vm0, vm1;
	vm1 =	vlt.f32 @p0 v12, v10  }
0x263: {  	vm2 =	vmand @p0 vm2, vm3;
	v4 =	vsel @p0 vm0, v8, v7;
	v5 =	vsel @p0 vm0, v9, v6  }
0x264: {  	vm0 =	vmor @p0 vm1, vm2;
	(xrf1) =	vsort.dscd.msk.f32 @p0 $0xffff, v4, v5  }
0x265: {  	v4 =	vsel @p0 vm0, v12, v10;
	v5 =	vsel @p0 vm0, v13, v11  }
0x266: {  	(xrf1) =	vsort.ascd.msk.f32 @p0 $0xffff, v4, v5;
	_ =	sdelay $0x9  }
0x267: {  	v4, v5, _ =	vpop (xrf1)  }
0x268: {  	v4 =	vperm.xlane v4, v0;
	v5 =	vperm.xlane v5, v0  }
0x269: {  	v6, v7, _ =	vpop @p0 (xrf1)  }
0x26a: {  	v62 =	vperm.xlane v4, v0;
	v0 =	vperm.xlane v5, v0;
	v3 =	vpsel p0, v6, v3  }
0x26b: {  	v63 =	vpsel p0, v7, v1;
	v7, v9, _ =	vpop @p0 (xrf1);
	vm9 =	vgt.f32 v3, v4;
	vm10 =	veq.f32 v3, v4  }
0x26c: {  	vm11 =	vlt.s32 v63, v5;
	v2 =	vpsel p0, v7, v2;
	v1 =	vpsel p0, v9, v1  }
0x26d: {  	vm1 =	vmand vm10, vm11;
	vm12 =	veq.f32 v2, v62;
	vm13 =	vlt.s32 v1, v0  }
0x26e: {  	vm14 =	vlt.f32 v2, v62;
	vm0 =	vmor vm9, vm1;
	vm2 =	vmand vm12, vm13  }
0x26f: {  	v3 =	vsel vm0, v3, v4;
	v4 =	vsel vm0, v63, v5;
	vm15 =	vmor vm14, vm2  }
0x270: {  	v2 =	vsel vm15, v2, v62;
	v0 =	vsel vm15, v1, v0;
	(xrf1) =	vsort.dscd.msk.f32 $0xffff, v3, v4  }
0x271: {  	(xrf1) =	vsort.ascd.msk.f32 $0xffff, v2, v0;
	_ =	sdelay $0x9  }
.Ltmp14:
0x272: {  	_ = 	snop;
	(pc) =	sbr.rel .LBB2_24-.Ltmp14, $3  }
0x273: {  	_ =	sdelay $0x1  }
0x274: {  	v3, v1, _ =	vpop (xrf1)  }
0x275: {  	v2, v0, _ =	vpop (xrf1)  }
.LBB2_11:
0x276: {  	v0 =	vimm.s32 $0x7FFFFFFF  }
.LBB2_24:
0x277: {  	[tilespmem:$0x4A80] =	vst v3  }
0x278: {  	[tilespmem:$0x4A90] =	vst v1  }
0x279: {  	[tilespmem:$0x4AA0] =	vst v2  }
0x27a: {  	[tilespmem:$0x4AB0] =	vst v0;
	s7 =	simm.s32 $0x4A80  }
0x27b: {  	[spmem:s6] =	stream.linear.scatter [tilespmem:s7], [sflag:$0x2], $0x40, $0x38;
	[tilespmem:$0x6040] =	vst v63  }
0x27c: {  	s6 =	simm.s32 $0x2  }
0x27d: {  	_ =	swait.ge [sflag:s6], $0x40  }
0x27e: {  	[sflag:s6] =	ssyncset.done $0x0  }
0x27f: {  	[sflag:s6] =	ssyncadd.s32 $0xFFFFFFC0  }
0x280: {  	p0 =	sne.s32 s5, $0x0;
	[bflag:$0x0] =	sbarrier.arrive $0xFFFF  }
0x281: {  	_ =	sfence.sel @p0 $0x180000  }
0x282: {  	[bflag:$0x0] =	sbarrier.arrive @p0 $0xFFFF  }
0x283: {  	_ =	strace @p0 $0x90000047  }
0x284: {  	[bflag:$0x2] =	sbarrier.arrive @p0 $0xFFFF  }
0x285: {  	_ =	shalt @p0  }
.LBB2_25:
0x286: {  	s5 =	simm.s32 $0x4B00  }
0x287: {  	[tilespmem:s5], [sflag:$0x2] =	stream.linear.gather [spmem:s4], $0x400, $0x38;
	[tilespmem:$0x6040] =	vst v63  }
0x288: {  	_ =	swait.ge [sflag:s6], $0x400  }
0x289: {  	[sflag:s6] =	ssyncset.done $0x0  }
0x28a: {  	[sflag:s6] =	ssyncadd.s32 $0xFFFFFC00  }
0x28b: {  	v1 =	vld [tilespmem:$0x4B00]  }
0x28c: {  	s31 =	simm.s32 $0x0;
	v2 =	vld [tilespmem:$0x4B10]  }
0x28d: {  	v3 =	vld [tilespmem:s31+$0x4B40]  }
0x28e: {  	v4 =	vld [tilespmem:s31+$0x4B50]  }
0x28f: {  	v5 =	vld [tilespmem:s31+$0x4B60]  }
0x290: {  	v0 =	vlaneseq.u32;
	v6 =	vld [tilespmem:s31+$0x4B70]  }
0x291: {  	v0 =	vmul.u32 $0xFFFFFFFF, v0;
	v7 =	vld [tilespmem:$0x4B20]  }
0x292: {  	v8 =	vld [tilespmem:$0x4B30]  }
0x293: {  	v0 =	vadd.s32 $0xF, v0  }
0x294: {  	v3 =	vperm.xlane v3, v0;
	v4 =	vperm.xlane v4, v0  }
0x295: {  	v5 =	vperm.xlane v5, v0;
	v6 =	vperm.xlane v6, v0  }
0x296: {  	vm0 =	vgt.f32 v1, v3;
	vm1 =	veq.f32 v1, v3;
	vm2 =	vlt.s32 v2, v4  }
0x297: {  	vm13 =	veq.f32 v7, v5;
	vm3 =	vlt.s32 v8, v6;
	vm1 =	vmand vm1, vm2  }
0x298: {  	vm14 =	vlt.f32 v7, v5;
	vm2 =	vmand vm13, vm3;
	vm0 =	vmor vm0, vm1  }
0x299: {  	vm15 =	vmor vm14, vm2;
	v3 =	vsel vm0, v1, v3;
	v2 =	vsel vm0, v2, v4  }
0x29a: {  	v4 =	vsel vm15, v7, v5;
	v5 =	vsel vm15, v8, v6;
	(xrf1) =	vsort.dscd.msk.f32 $0xffff, v3, v2  }
0x29b: {  	(xrf1) =	vsort.ascd.msk.f32 $0xffff, v4, v5;
	_ =	sdelay $0x3  }
0x29c: {  	s5 =	simm.s32 $0x40  }
0x29d: {  	v1 =	vld [tilespmem:s5+$0x4B40]  }
0x29e: {  	v2 =	vld [tilespmem:s5+$0x4B50]  }
0x29f: {  	s4 =	simm.s32 $0x200;
	v3 =	vld [tilespmem:s5+$0x4B60]  }
.LBB2_26:
0x2a0: {  	p0 =	sne.s32 s4, $0xE00;
	v4 =	vld [tilespmem:s5+$0x4B70];
	_ =	sdelay $0x3  }
0x2a1: {  	v1 =	vperm.xlane v1, v0;
	v2 =	vperm.xlane v2, v0  }
0x2a2: {  	v3 =	vperm.xlane v3, v0;
	v4 =	vperm.xlane v4, v0;
	v5, v6, _ =	vpop (xrf1)  }
0x2a3: {  	vm0 =	vgt.f32 v5, v1;
	vm1 =	veq.f32 v5, v1;
	vm2 =	vlt.s32 v6, v2;
	v7, v8, _ =	vpop (xrf1)  }
0x2a4: {  	vm1 =	vmand vm1, vm2;
	vm2 =	veq.f32 v7, v3;
	vm3 =	vlt.s32 v8, v4  }
0x2a5: {  	vm0 =	vmor vm0, vm1;
	vm1 =	vlt.f32 v7, v3;
	vm2 =	vmand vm2, vm3  }
0x2a6: {  	v1 =	vsel vm0, v5, v1;
	v2 =	vsel vm0, v6, v2;
	vm0 =	vmor vm1, vm2  }
0x2a7: {  	v3 =	vsel vm0, v7, v3;
	v4 =	vsel vm0, v8, v4;
	(xrf1) =	vsort.dscd.msk.f32 $0xffff, v1, v2  }
0x2a8: {  	(xrf1) =	vsort.ascd.msk.f32 $0xffff, v3, v4;
	_ =	sdelay $0x2  }
.Ltmp15:
0x2a9: {  	(pc) =	sbr.rel @p0 .LBB2_26-.Ltmp15, $4  }
0x2aa: {  	s5 =	sshra.s32 s4, $0x2  }
0x2ab: {  	v1 =	vld [tilespmem:s5+$0x4B40]  }
0x2ac: {  	v2 =	vld [tilespmem:s5+$0x4B50]  }
0x2ad: {  	s4 =	sadd.s32 $0x100, s4;
	v3 =	vld [tilespmem:s5+$0x4B60]  }
0x2ae: {  	v4 =	vld [tilespmem:s5+$0x4B70];
	_ =	sdelay $0x3  }
0x2af: {  	v1 =	vperm.xlane v1, v0;
	v2 =	vperm.xlane v2, v0  }
0x2b0: {  	v3 =	vperm.xlane v3, v0;
	v60 =	vperm.xlane v4, v0;
	v61, v5, _ =	vpop (xrf1)  }
0x2b1: {  	vm0 =	vgt.f32 v61, v1;
	vm1 =	veq.f32 v61, v1;
	vm2 =	vlt.s32 v5, v2;
	v6, v7, _ =	vpop (xrf1)  }
0x2b2: {  	vm1 =	vmand vm1, vm2;
	vm13 =	veq.f32 v6, v3;
	vm3 =	vlt.s32 v7, v60  }
0x2b3: {  	vm14 =	vlt.f32 v6, v3;
	vm0 =	vmor vm0, vm1;
	vm2 =	vmand vm13, vm3  }
0x2b4: {  	v1 =	vsel vm0, v61, v1;
	v2 =	vsel vm0, v5, v2;
	vm15 =	vmor vm14, vm2  }
0x2b5: {  	v3 =	vsel vm15, v6, v3;
	v0 =	vsel vm15, v7, v60;
	(xrf1) =	vsort.dscd.msk.f32 $0xffff, v1, v2  }
0x2b6: {  	(xrf1) =	vsort.ascd.msk.f32 $0xffff, v3, v0;
	_ =	sdelay $0xa  }
0x2b7: {  	v62 =	vlaneseq.u32  }
0x2b8: {  	v0 =	vmul.u32 $0xFFFFFFFF, v62  }
0x2b9: {  	v1, v2, _ =	vpop (xrf1)  }
0x2ba: {  	v0 =	vadd.s32 $0xF, v0;
	v3, v63, _ =	vpop (xrf1)  }
0x2bb: {  	[tilespmem:$0x4FC0] =	vst v1;
	v3 =	vperm.xlane v3, v0  }
0x2bc: {  	[tilespmem:$0x4F40] =	vst v2;
	v0 =	vperm.xlane v63, v0  }
0x2bd: {  	s4 =	simm.s32 $0x20;
	[tilespmem:$0x4FD0] =	vst v3  }
0x2be: {  	s26 =	simm.s32 $0x4F40;
	s6 =	simm.s32 $0x5040;
	s28 =	simm.s32 $0x1;
	[tilespmem:$0x4F50] =	vst v0  }
0x2bf: {  	[tilespmem:s6], [sflag:$0x1] =	stream.indirect.gather [hbm4b:s3+s4], $0x80, s26, s4, $0xb8;
	[tilespmem:$0x6040] =	vst v63  }
0x2c0: {  	_ =	swait.ge [sflag:s28], $0x1000  }
0x2c1: {  	s29 =	simm.s32 $0x0;
	[sflag:s28] =	ssyncset.done $0x0  }
0x2c2: {  	s30 =	simm.s32 $0x4FC0;
	s31 =	simm.s32 $0x2;
	[sflag:s28] =	ssyncadd.s32 $0xFFFFF000  }
0x2c3: {  	[hbm4b:s2+s29] =	stream.linear.scatter [tilespmem:s30], [sflag:$0x2], $0x80, $0x38;
	[tilespmem:$0x6040] =	vst v63  }
0x2c4: {  	_ =	swait.ge [sflag:s31], $0x80  }
0x2c5: {  	[sflag:s31] =	ssyncset.done $0x0  }
0x2c6: {  	[sflag:s31] =	ssyncadd.s32 $0xFFFFFF80  }
0x2c7: {  	[hbm4b:s1+s29] =	stream.linear.scatter [tilespmem:s6], [sflag:$0x2], $0x1000, $0x38;
	[tilespmem:$0x6040] =	vst v63  }
0x2c8: {  	_ =	swait.ge [sflag:s31], $0x1000  }
0x2c9: {  	[sflag:s31] =	ssyncset.done $0x0  }
0x2ca: {  	[sflag:s31] =	ssyncadd.s32 $0xFFFFF000  }
0x2cb: {  	_ =	sfence.sel $0x180000  }
0x2cc: {  	[bflag:$0x0] =	sbarrier.arrive $0xFFFF  }
0x2cd: {  	_ =	strace $0x90000047  }
0x2ce: {  	s0 =	sadd.s32 $0x100000, s0;
	[bflag:$0x2] =	sbarrier.arrive $0xFFFF  }
0x2cf: {  	[sflag:s0] =	ssyncadd.tile.s32 $0x1;
	_ =	shalt  }
.LBB2_6:
.Ltmp16:
0x2d0: {  	(pc) =	sbr.rel .LBB2_16-.Ltmp16, $2  }
0x2d1: {  	_ =	sdelay $0x2  }
0x2d2: {  	v10 =	vimm.s32 $0x0;
	s13 =	simm.s32 $0x80;
	s12 =	smov.u32 s14  }
.LBB2_28:
.Ltmp17:
0x2d3: {  	(pc) =	sbr.rel .LBB2_16-.Ltmp17, $3  }
0x2d4: {  	_ =	sdelay $0x1  }
0x2d5: {  	s17 =	simm.s32 $0x180  }
0x2d6: {  	s14 =	smov.u32 s16;
	s13 =	simm.s32 $0x180;
	s12 =	smov.u32 s16  }
.LBB2_18:
.Ltmp18:
0x2d7: {  	(pc) =	sbr.rel .LBB2_23-.Ltmp18, $2  }
0x2d8: {  	_ =	sdelay $0x2  }
0x2d9: {  	_ = 	snop  }
.LBB2_20:
.Ltmp19:
0x2da: {  	(pc) =	sbr.rel .LBB2_23-.Ltmp19, $2  }
0x2db: {  	_ =	sdelay $0x2  }
0x2dc: {  	_ = 	snop  }
.Lfunc_end2:
_tile_overlayer_lowered:
.L_overlay_start_2:
0x2dd: {  	(tag) =	ssettag $0x2  }
0x2de: {  	s0 =	rddreg [dreg:$0x0];
	s2 =	stileid.u32  }
0x2df: {  	s1 =	rddreg [dreg:$0x1];
	p0 =	sne.s32 s2, $0x0  }
0x2e0: {  	s3 =	rddreg [dreg:$0x2];
	[bflag:$0x3] =	sbarrier.arrive $0xFFFF;
	s2 =	simm.s32 @!p0 $0x1C02  }
0x2e1: {  	[timem:s3], [sflag:s2] =	dma.local @!p0 [hbm:s0], s1  }
0x2e2: {  	s0 =	simm.s32 @!p0 $0x2  }
0x2e3: {  	_ =	swait.ge @!p0 [sflag:s0], s1  }
0x2e4: {  	s1 =	ssub.s32 @!p0 $0x0, s1;
	[sflag:s0] =	ssyncset.done @!p0 $0x0  }
0x2e5: {  	[sflag:s0] =	ssyncadd.s32 @!p0 s1  }
0x2e6: {  	[bflag:$0x3] =	sbarrier.arrive $0xFFFF  }
0x2e7: {  	_ =	shalt  }

</sc_bundles>
